<compile_context>
chip_gen: v7x
topology: tpu7x:2x2x1
jax: 0.10.2.dev20260603
libtpu: 0.0.44.dev20260713+nightly
codegen_flags: <defaults>
</compile_context>

<pallas_src>
import functools

import jax
import jax.numpy as jnp
from jax import lax
from jax.experimental import pallas as pl
from jax.experimental.pallas import tpu as pltpu
from jax.experimental.pallas import tpu_sc as plsc

B = 16384
D = 32
V = 1000000


def _sc_fused(uid, iid, ut, it):
    info = plsc.get_sparse_core_info()
    nc, ns = info.num_cores, info.num_subcores
    nw = nc * ns
    bpw = B // nw
    ng = bpw // 16
    mesh = plsc.VectorSubcoreMesh(core_axis_name="c", subcore_axis_name="s")

    @functools.partial(
        pl.kernel,
        mesh=mesh,
        compiler_params=pltpu.CompilerParams(
            use_tc_tiling_on_sc=False, needs_layout_passes=False),
        out_type=jax.ShapeDtypeStruct((B,), jnp.float32),
        scratch_types=[
            pltpu.VMEM((bpw,), jnp.int32),
            pltpu.VMEM((bpw,), jnp.int32),
            pltpu.VMEM((bpw, D), jnp.float32),
            pltpu.VMEM((bpw, D), jnp.float32),
            pltpu.VMEM((bpw,), jnp.float32),
            pltpu.SemaphoreType.DMA,
            pltpu.SemaphoreType.DMA,
        ],
    )
    def k(uid_hbm, iid_hbm, ut_hbm, it_hbm, out_hbm,
          uid_v, iid_v, du_v, di_v, out_v, semu, semi):
        wid = lax.axis_index("s") * nc + lax.axis_index("c")
        base = wid * bpw
        pltpu.sync_copy(uid_hbm.at[pl.ds(base, bpw)], uid_v)
        pltpu.sync_copy(iid_hbm.at[pl.ds(base, bpw)], iid_v)

        cu = pltpu.async_copy(ut_hbm.at[uid_v], du_v, semu)
        ci = pltpu.async_copy(it_hbm.at[iid_v], di_v, semi)
        cu.wait()
        ci.wait()

        def dot(g, _):
            rows = g * 16 + lax.iota(jnp.int32, 16)
            acc = jnp.zeros((16,), jnp.float32)
            for d in range(D):
                dvec = jnp.full((16,), d, jnp.int32)
                u = plsc.load_gather(du_v, [rows, dvec])
                i = plsc.load_gather(di_v, [rows, dvec])
                acc += u * i
            out_v[pl.ds(g * 16, 16)] = acc
            return 0

        lax.fori_loop(0, ng, dot, 0)
        pltpu.sync_copy(out_v, out_hbm.at[pl.ds(base, bpw)])

    return k(uid, iid, ut, it)


def kernel(input_userID, input_itemID, user_table, item_table):
    uid = input_userID.astype(jnp.int32)
    iid = input_itemID.astype(jnp.int32)
    return _sc_fused(uid, iid, user_table, item_table)

# --- scband reference (transcript-rebuilt; emitter-appended) ---
"""Pipeline reference for scband-gen-16784732193271 (READ-ONLY COPY).

The authoritative reference and input builder live on the scoring server;
editing this copy changes nothing except your own understanding.
"""

import jax, jax.numpy as jnp
import numpy as np

NUM_USERS = 1000000
NUM_ITEMS = 1000000
EMBED_SIZE = 32
BATCH = 16384

def setup_inputs(seed: int = 0) -> dict:
    key = jax.random.key(seed)
    k1, k2, k3, k4 = jax.random.split(key, 4)
    input_userID = jax.random.randint(k1, (BATCH,), 0, NUM_USERS, dtype=jnp.int64 if jax.config.jax_enable_x64 else jnp.int32)
    input_itemID = jax.random.randint(k2, (BATCH,), 0, NUM_ITEMS, dtype=jnp.int64 if jax.config.jax_enable_x64 else jnp.int32)
    user_table = jax.random.normal(k3, (NUM_USERS, EMBED_SIZE), dtype=jnp.float32) * 0.01
    item_table = jax.random.normal(k4, (NUM_ITEMS, EMBED_SIZE), dtype=jnp.float32) * 0.01
    return {"input_userID": input_userID, "input_itemID": input_itemID, "user_table": user_table, "item_table": item_table}

def reference(input_userID, input_itemID, user_table, item_table):
    # Embedding lookups (gather rows from tables)
    Uembed = jnp.take(user_table, input_userID, axis=0)
    Iembed = jnp.take(item_table, input_itemID, axis=0)
    # Elementwise product followed by sum over embedding dim (dot-product score)
    y_gen = jnp.sum(Uembed * Iembed, axis=-1)
    return y_gen

if __name__ == "__main__":
    import jax
    _d = setup_inputs()
    print(jax.jit(kernel)(*tuple(_d.values())))

</pallas_src>

<mosaic_0001>
#map = affine_map<(d0, d1) -> (0)>
#map1 = affine_map<(d0, d1) -> (0, 0)>
module attributes {stable_mosaic.version = 14 : i64} {
  func.func @k(%arg0: i32, %arg1: i32, %arg2: memref<16384xi32, #tpu.memory_space<hbm>>, %arg3: memref<16384xi32, #tpu.memory_space<hbm>>, %arg4: memref<1000000x32xf32, #tpu.memory_space<hbm>>, %arg5: memref<1000000x32xf32, #tpu.memory_space<hbm>>, %arg6: memref<16384xf32, #tpu.memory_space<hbm>>, %arg7: memref<512xi32, #tpu.memory_space<vmem>>, %arg8: memref<512xi32, #tpu.memory_space<vmem>>, %arg9: memref<512x32xf32, #tpu.memory_space<vmem>>, %arg10: memref<512x32xf32, #tpu.memory_space<vmem>>, %arg11: memref<512xf32, #tpu.memory_space<vmem>>, %arg12: memref<!tpu.dma_semaphore, #tpu.memory_space<semaphore_mem>>, %arg13: memref<!tpu.dma_semaphore, #tpu.memory_space<semaphore_mem>>) attributes {dimension_semantics = [#tpu.dimension_semantics<core_parallel>, #tpu.dimension_semantics<subcore_parallel>], iteration_bounds = array<i64: 2, 16>, scalar_prefetch = 0 : i64, scratch_operands = 7 : i64, tpu.core_type = #tpu.core_type<sc_vector_subcore>, window_params = [{transform_indices = #map}, {transform_indices = #map}, {transform_indices = #map1}, {transform_indices = #map1}, {transform_indices = #map}]} {
    %mul3A = arith.constant 2 : i32
    %mul3A_0 = arith.muli %arg1, %mul3A : i32
    %add3A = arith.addi %mul3A_0, %arg0 : i32
    %mul3A_1 = arith.constant 512 : i32
    %mul3A_2 = arith.muli %add3A, %mul3A_1 : i32
    "tpu.region"() ({
      %run_scoped3A = tpu.sem_alloc : memref<!tpu.dma_semaphore, #tpu.memory_space<semaphore_mem>>
      %dma_start3A_19 = tpu.memref_slice %arg2[%mul3A_2] : memref<16384xi32, #tpu.memory_space<hbm>> -> memref<512xi32, #tpu.memory_space<hbm>>
      %dma_start3A_20 = tpu.memref_slice %arg2[%mul3A_2] : memref<16384xi32, #tpu.memory_space<hbm>> -> memref<512xi32, #tpu.memory_space<hbm>>
      tpu.enqueue_dma source(%dma_start3A_20 : memref<512xi32, #tpu.memory_space<hbm>>) target(%arg7 : memref<512xi32, #tpu.memory_space<vmem>>) target_semaphore(%run_scoped3A : memref<!tpu.dma_semaphore, #tpu.memory_space<semaphore_mem>>)
      %dma_wait3A_21 = tpu.memref_slice %arg2[%mul3A_2] : memref<16384xi32, #tpu.memory_space<hbm>> -> memref<512xi32, #tpu.memory_space<hbm>>
      %dma_wait3A_22 = tpu.memref_slice %arg2[%mul3A_2] : memref<16384xi32, #tpu.memory_space<hbm>> -> memref<512xi32, #tpu.memory_space<hbm>>
      tpu.wait_dma2 semaphore(%run_scoped3A : memref<!tpu.dma_semaphore, #tpu.memory_space<semaphore_mem>>) src(%dma_wait3A_22 : memref<512xi32, #tpu.memory_space<hbm>>) dst(%arg7 : memref<512xi32, #tpu.memory_space<vmem>>)
      tpu.yield
    }) : () -> ()
    "tpu.region"() ({
      %run_scoped3A = tpu.sem_alloc : memref<!tpu.dma_semaphore, #tpu.memory_space<semaphore_mem>>
      %dma_start3A_19 = tpu.memref_slice %arg3[%mul3A_2] : memref<16384xi32, #tpu.memory_space<hbm>> -> memref<512xi32, #tpu.memory_space<hbm>>
      %dma_start3A_20 = tpu.memref_slice %arg3[%mul3A_2] : memref<16384xi32, #tpu.memory_space<hbm>> -> memref<512xi32, #tpu.memory_space<hbm>>
      tpu.enqueue_dma source(%dma_start3A_20 : memref<512xi32, #tpu.memory_space<hbm>>) target(%arg8 : memref<512xi32, #tpu.memory_space<vmem>>) target_semaphore(%run_scoped3A : memref<!tpu.dma_semaphore, #tpu.memory_space<semaphore_mem>>)
      %dma_wait3A_21 = tpu.memref_slice %arg3[%mul3A_2] : memref<16384xi32, #tpu.memory_space<hbm>> -> memref<512xi32, #tpu.memory_space<hbm>>
      %dma_wait3A_22 = tpu.memref_slice %arg3[%mul3A_2] : memref<16384xi32, #tpu.memory_space<hbm>> -> memref<512xi32, #tpu.memory_space<hbm>>
      tpu.wait_dma2 semaphore(%run_scoped3A : memref<!tpu.dma_semaphore, #tpu.memory_space<semaphore_mem>>) src(%dma_wait3A_22 : memref<512xi32, #tpu.memory_space<hbm>>) dst(%arg8 : memref<512xi32, #tpu.memory_space<vmem>>)
      tpu.yield
    }) : () -> ()
    %dma_start3A = arith.constant 0 : i32
    %dma_start3A_3 = arith.constant 0 : i32
    %dma_start3A_4 = tpu.memref_slice %arg4[%dma_start3A, %dma_start3A_3] : memref<1000000x32xf32, #tpu.memory_space<hbm>> -> memref<1000000x32xf32, #tpu.memory_space<hbm>>
    tpu.enqueue_indirect_dma source(%dma_start3A_4 : memref<1000000x32xf32, #tpu.memory_space<hbm>>) target(%arg9 : memref<512x32xf32, #tpu.memory_space<vmem>>) offsets(%arg7 : memref<512xi32, #tpu.memory_space<vmem>>) semaphore(%arg12 : memref<!tpu.dma_semaphore, #tpu.memory_space<semaphore_mem>>)
    %dma_start3A_5 = arith.constant 0 : i32
    %dma_start3A_6 = arith.constant 0 : i32
    %dma_start3A_7 = tpu.memref_slice %arg5[%dma_start3A_5, %dma_start3A_6] : memref<1000000x32xf32, #tpu.memory_space<hbm>> -> memref<1000000x32xf32, #tpu.memory_space<hbm>>
    tpu.enqueue_indirect_dma source(%dma_start3A_7 : memref<1000000x32xf32, #tpu.memory_space<hbm>>) target(%arg10 : memref<512x32xf32, #tpu.memory_space<vmem>>) offsets(%arg8 : memref<512xi32, #tpu.memory_space<vmem>>) semaphore(%arg13 : memref<!tpu.dma_semaphore, #tpu.memory_space<semaphore_mem>>)
    %dma_wait3A = arith.constant 0 : i32
    %dma_wait3A_8 = arith.constant 0 : i32
    %dma_wait3A_9 = tpu.memref_slice %arg4[%dma_wait3A, %dma_wait3A_8] : memref<1000000x32xf32, #tpu.memory_space<hbm>> -> memref<1000000x32xf32, #tpu.memory_space<hbm>>
    tpu.wait_indirect_dma semaphore(%arg12 : memref<!tpu.dma_semaphore, #tpu.memory_space<semaphore_mem>>) src(%dma_wait3A_9 : memref<1000000x32xf32, #tpu.memory_space<hbm>>) dst(%arg9 : memref<512x32xf32, #tpu.memory_space<vmem>>)
    %dma_wait3A_10 = arith.constant 0 : i32
    %dma_wait3A_11 = arith.constant 0 : i32
    %dma_wait3A_12 = tpu.memref_slice %arg5[%dma_wait3A_10, %dma_wait3A_11] : memref<1000000x32xf32, #tpu.memory_space<hbm>> -> memref<1000000x32xf32, #tpu.memory_space<hbm>>
    tpu.wait_indirect_dma semaphore(%arg13 : memref<!tpu.dma_semaphore, #tpu.memory_space<semaphore_mem>>) src(%dma_wait3A_12 : memref<1000000x32xf32, #tpu.memory_space<hbm>>) dst(%arg10 : memref<512x32xf32, #tpu.memory_space<vmem>>)
    %scan3A = arith.constant 0 : i32
    %scan3A_13 = arith.constant 0 : i32
    %scan3A_14 = arith.constant 32 : i32
    %scan3A_15 = arith.addi %scan3A_13, %scan3A_14 : i32
    %scan3A_16 = arith.constant 1 : i32
    %scan3A_17 = scf.for %scan3A_19 = %scan3A_13 to %scan3A_15 step %scan3A_16 iter_args(%scan3A_20 = %scan3A) -> (i32)  : i32 {
      %mul3A_21 = arith.constant 16 : i32
      %mul3A_22 = arith.muli %scan3A_19, %mul3A_21 : i32
      %iota3A = tpu.iota {dimensions = array<i32: 0>} : vector<16xi32>
      %add3A_23 = vector.broadcast %mul3A_22 : i32 to vector<16xi32>
      %add3A_24 = arith.addi %add3A_23, %iota3A : vector<16xi32>
      %broadcast_in_dim3A = arith.constant 0.000000e+00 : f32
      %broadcast_in_dim3A_25 = vector.broadcast %broadcast_in_dim3A : f32 to vector<16xf32>
      %broadcast_in_dim3A_26 = arith.constant 0 : i32
      %broadcast_in_dim3A_27 = vector.broadcast %broadcast_in_dim3A_26 : i32 to vector<16xi32>
      %gather3A = tpu.vector_load_idx %arg9[%add3A_24, %broadcast_in_dim3A_27] : memref<512x32xf32, #tpu.memory_space<vmem>>[vector<16xi32>, vector<16xi32>], vector<16xf32>,
      %gather3A_28 = tpu.vector_load_idx %arg10[%add3A_24, %broadcast_in_dim3A_27] : memref<512x32xf32, #tpu.memory_space<vmem>>[vector<16xi32>, vector<16xi32>], vector<16xf32>,
      %mul3A_29 = arith.mulf %gather3A, %gather3A_28 : vector<16xf32>
      %add3A_30 = arith.addf %broadcast_in_dim3A_25, %mul3A_29 : vector<16xf32>
      %broadcast_in_dim3A_31 = arith.constant 1 : i32
      %broadcast_in_dim3A_32 = vector.broadcast %broadcast_in_dim3A_31 : i32 to vector<16xi32>
      %gather3A_33 = tpu.vector_load_idx %arg9[%add3A_24, %broadcast_in_dim3A_32] : memref<512x32xf32, #tpu.memory_space<vmem>>[vector<16xi32>, vector<16xi32>], vector<16xf32>,
      %gather3A_34 = tpu.vector_load_idx %arg10[%add3A_24, %broadcast_in_dim3A_32] : memref<512x32xf32, #tpu.memory_space<vmem>>[vector<16xi32>, vector<16xi32>], vector<16xf32>,
      %mul3A_35 = arith.mulf %gather3A_33, %gather3A_34 : vector<16xf32>
      %add3A_36 = arith.addf %add3A_30, %mul3A_35 : vector<16xf32>
      %broadcast_in_dim3A_37 = arith.constant 2 : i32
      %broadcast_in_dim3A_38 = vector.broadcast %broadcast_in_dim3A_37 : i32 to vector<16xi32>
      %gather3A_39 = tpu.vector_load_idx %arg9[%add3A_24, %broadcast_in_dim3A_38] : memref<512x32xf32, #tpu.memory_space<vmem>>[vector<16xi32>, vector<16xi32>], vector<16xf32>,
      %gather3A_40 = tpu.vector_load_idx %arg10[%add3A_24, %broadcast_in_dim3A_38] : memref<512x32xf32, #tpu.memory_space<vmem>>[vector<16xi32>, vector<16xi32>], vector<16xf32>,
      %mul3A_41 = arith.mulf %gather3A_39, %gather3A_40 : vector<16xf32>
      %add3A_42 = arith.addf %add3A_36, %mul3A_41 : vector<16xf32>
      %broadcast_in_dim3A_43 = arith.constant 3 : i32
      %broadcast_in_dim3A_44 = vector.broadcast %broadcast_in_dim3A_43 : i32 to vector<16xi32>
      %gather3A_45 = tpu.vector_load_idx %arg9[%add3A_24, %broadcast_in_dim3A_44] : memref<512x32xf32, #tpu.memory_space<vmem>>[vector<16xi32>, vector<16xi32>], vector<16xf32>,
      %gather3A_46 = tpu.vector_load_idx %arg10[%add3A_24, %broadcast_in_dim3A_44] : memref<512x32xf32, #tpu.memory_space<vmem>>[vector<16xi32>, vector<16xi32>], vector<16xf32>,
      %mul3A_47 = arith.mulf %gather3A_45, %gather3A_46 : vector<16xf32>
      %add3A_48 = arith.addf %add3A_42, %mul3A_47 : vector<16xf32>
      %broadcast_in_dim3A_49 = arith.constant 4 : i32
      %broadcast_in_dim3A_50 = vector.broadcast %broadcast_in_dim3A_49 : i32 to vector<16xi32>
      %gather3A_51 = tpu.vector_load_idx %arg9[%add3A_24, %broadcast_in_dim3A_50] : memref<512x32xf32, #tpu.memory_space<vmem>>[vector<16xi32>, vector<16xi32>], vector<16xf32>,
      %gather3A_52 = tpu.vector_load_idx %arg10[%add3A_24, %broadcast_in_dim3A_50] : memref<512x32xf32, #tpu.memory_space<vmem>>[vector<16xi32>, vector<16xi32>], vector<16xf32>,
      %mul3A_53 = arith.mulf %gather3A_51, %gather3A_52 : vector<16xf32>
      %add3A_54 = arith.addf %add3A_48, %mul3A_53 : vector<16xf32>
      %broadcast_in_dim3A_55 = arith.constant 5 : i32
      %broadcast_in_dim3A_56 = vector.broadcast %broadcast_in_dim3A_55 : i32 to vector<16xi32>
      %gather3A_57 = tpu.vector_load_idx %arg9[%add3A_24, %broadcast_in_dim3A_56] : memref<512x32xf32, #tpu.memory_space<vmem>>[vector<16xi32>, vector<16xi32>], vector<16xf32>,
      %gather3A_58 = tpu.vector_load_idx %arg10[%add3A_24, %broadcast_in_dim3A_56] : memref<512x32xf32, #tpu.memory_space<vmem>>[vector<16xi32>, vector<16xi32>], vector<16xf32>,
      %mul3A_59 = arith.mulf %gather3A_57, %gather3A_58 : vector<16xf32>
      %add3A_60 = arith.addf %add3A_54, %mul3A_59 : vector<16xf32>
      %broadcast_in_dim3A_61 = arith.constant 6 : i32
      %broadcast_in_dim3A_62 = vector.broadcast %broadcast_in_dim3A_61 : i32 to vector<16xi32>
      %gather3A_63 = tpu.vector_load_idx %arg9[%add3A_24, %broadcast_in_dim3A_62] : memref<512x32xf32, #tpu.memory_space<vmem>>[vector<16xi32>, vector<16xi32>], vector<16xf32>,
      %gather3A_64 = tpu.vector_load_idx %arg10[%add3A_24, %broadcast_in_dim3A_62] : memref<512x32xf32, #tpu.memory_space<vmem>>[vector<16xi32>, vector<16xi32>], vector<16xf32>,
      %mul3A_65 = arith.mulf %gather3A_63, %gather3A_64 : vector<16xf32>
      %add3A_66 = arith.addf %add3A_60, %mul3A_65 : vector<16xf32>
      %broadcast_in_dim3A_67 = arith.constant 7 : i32
      %broadcast_in_dim3A_68 = vector.broadcast %broadcast_in_dim3A_67 : i32 to vector<16xi32>
      %gather3A_69 = tpu.vector_load_idx %arg9[%add3A_24, %broadcast_in_dim3A_68] : memref<512x32xf32, #tpu.memory_space<vmem>>[vector<16xi32>, vector<16xi32>], vector<16xf32>,
      %gather3A_70 = tpu.vector_load_idx %arg10[%add3A_24, %broadcast_in_dim3A_68] : memref<512x32xf32, #tpu.memory_space<vmem>>[vector<16xi32>, vector<16xi32>], vector<16xf32>,
      %mul3A_71 = arith.mulf %gather3A_69, %gather3A_70 : vector<16xf32>
      %add3A_72 = arith.addf %add3A_66, %mul3A_71 : vector<16xf32>
      %broadcast_in_dim3A_73 = arith.constant 8 : i32
      %broadcast_in_dim3A_74 = vector.broadcast %broadcast_in_dim3A_73 : i32 to vector<16xi32>
      %gather3A_75 = tpu.vector_load_idx %arg9[%add3A_24, %broadcast_in_dim3A_74] : memref<512x32xf32, #tpu.memory_space<vmem>>[vector<16xi32>, vector<16xi32>], vector<16xf32>,
      %gather3A_76 = tpu.vector_load_idx %arg10[%add3A_24, %broadcast_in_dim3A_74] : memref<512x32xf32, #tpu.memory_space<vmem>>[vector<16xi32>, vector<16xi32>], vector<16xf32>,
      %mul3A_77 = arith.mulf %gather3A_75, %gather3A_76 : vector<16xf32>
      %add3A_78 = arith.addf %add3A_72, %mul3A_77 : vector<16xf32>
      %broadcast_in_dim3A_79 = arith.constant 9 : i32
      %broadcast_in_dim3A_80 = vector.broadcast %broadcast_in_dim3A_79 : i32 to vector<16xi32>
      %gather3A_81 = tpu.vector_load_idx %arg9[%add3A_24, %broadcast_in_dim3A_80] : memref<512x32xf32, #tpu.memory_space<vmem>>[vector<16xi32>, vector<16xi32>], vector<16xf32>,
      %gather3A_82 = tpu.vector_load_idx %arg10[%add3A_24, %broadcast_in_dim3A_80] : memref<512x32xf32, #tpu.memory_space<vmem>>[vector<16xi32>, vector<16xi32>], vector<16xf32>,
      %mul3A_83 = arith.mulf %gather3A_81, %gather3A_82 : vector<16xf32>
      %add3A_84 = arith.addf %add3A_78, %mul3A_83 : vector<16xf32>
      %broadcast_in_dim3A_85 = arith.constant 10 : i32
      %broadcast_in_dim3A_86 = vector.broadcast %broadcast_in_dim3A_85 : i32 to vector<16xi32>
      %gather3A_87 = tpu.vector_load_idx %arg9[%add3A_24, %broadcast_in_dim3A_86] : memref<512x32xf32, #tpu.memory_space<vmem>>[vector<16xi32>, vector<16xi32>], vector<16xf32>,
      %gather3A_88 = tpu.vector_load_idx %arg10[%add3A_24, %broadcast_in_dim3A_86] : memref<512x32xf32, #tpu.memory_space<vmem>>[vector<16xi32>, vector<16xi32>], vector<16xf32>,
      %mul3A_89 = arith.mulf %gather3A_87, %gather3A_88 : vector<16xf32>
      %add3A_90 = arith.addf %add3A_84, %mul3A_89 : vector<16xf32>
      %broadcast_in_dim3A_91 = arith.constant 11 : i32
      %broadcast_in_dim3A_92 = vector.broadcast %broadcast_in_dim3A_91 : i32 to vector<16xi32>
      %gather3A_93 = tpu.vector_load_idx %arg9[%add3A_24, %broadcast_in_dim3A_92] : memref<512x32xf32, #tpu.memory_space<vmem>>[vector<16xi32>, vector<16xi32>], vector<16xf32>,
      %gather3A_94 = tpu.vector_load_idx %arg10[%add3A_24, %broadcast_in_dim3A_92] : memref<512x32xf32, #tpu.memory_space<vmem>>[vector<16xi32>, vector<16xi32>], vector<16xf32>,
      %mul3A_95 = arith.mulf %gather3A_93, %gather3A_94 : vector<16xf32>
      %add3A_96 = arith.addf %add3A_90, %mul3A_95 : vector<16xf32>
      %broadcast_in_dim3A_97 = arith.constant 12 : i32
      %broadcast_in_dim3A_98 = vector.broadcast %broadcast_in_dim3A_97 : i32 to vector<16xi32>
      %gather3A_99 = tpu.vector_load_idx %arg9[%add3A_24, %broadcast_in_dim3A_98] : memref<512x32xf32, #tpu.memory_space<vmem>>[vector<16xi32>, vector<16xi32>], vector<16xf32>,
      %gather3A_100 = tpu.vector_load_idx %arg10[%add3A_24, %broadcast_in_dim3A_98] : memref<512x32xf32, #tpu.memory_space<vmem>>[vector<16xi32>, vector<16xi32>], vector<16xf32>,
      %mul3A_101 = arith.mulf %gather3A_99, %gather3A_100 : vector<16xf32>
      %add3A_102 = arith.addf %add3A_96, %mul3A_101 : vector<16xf32>
      %broadcast_in_dim3A_103 = arith.constant 13 : i32
      %broadcast_in_dim3A_104 = vector.broadcast %broadcast_in_dim3A_103 : i32 to vector<16xi32>
      %gather3A_105 = tpu.vector_load_idx %arg9[%add3A_24, %broadcast_in_dim3A_104] : memref<512x32xf32, #tpu.memory_space<vmem>>[vector<16xi32>, vector<16xi32>], vector<16xf32>,
      %gather3A_106 = tpu.vector_load_idx %arg10[%add3A_24, %broadcast_in_dim3A_104] : memref<512x32xf32, #tpu.memory_space<vmem>>[vector<16xi32>, vector<16xi32>], vector<16xf32>,
      %mul3A_107 = arith.mulf %gather3A_105, %gather3A_106 : vector<16xf32>
      %add3A_108 = arith.addf %add3A_102, %mul3A_107 : vector<16xf32>
      %broadcast_in_dim3A_109 = arith.constant 14 : i32
      %broadcast_in_dim3A_110 = vector.broadcast %broadcast_in_dim3A_109 : i32 to vector<16xi32>
      %gather3A_111 = tpu.vector_load_idx %arg9[%add3A_24, %broadcast_in_dim3A_110] : memref<512x32xf32, #tpu.memory_space<vmem>>[vector<16xi32>, vector<16xi32>], vector<16xf32>,
      %gather3A_112 = tpu.vector_load_idx %arg10[%add3A_24, %broadcast_in_dim3A_110] : memref<512x32xf32, #tpu.memory_space<vmem>>[vector<16xi32>, vector<16xi32>], vector<16xf32>,
      %mul3A_113 = arith.mulf %gather3A_111, %gather3A_112 : vector<16xf32>
      %add3A_114 = arith.addf %add3A_108, %mul3A_113 : vector<16xf32>
      %broadcast_in_dim3A_115 = arith.constant 15 : i32
      %broadcast_in_dim3A_116 = vector.broadcast %broadcast_in_dim3A_115 : i32 to vector<16xi32>
      %gather3A_117 = tpu.vector_load_idx %arg9[%add3A_24, %broadcast_in_dim3A_116] : memref<512x32xf32, #tpu.memory_space<vmem>>[vector<16xi32>, vector<16xi32>], vector<16xf32>,
      %gather3A_118 = tpu.vector_load_idx %arg10[%add3A_24, %broadcast_in_dim3A_116] : memref<512x32xf32, #tpu.memory_space<vmem>>[vector<16xi32>, vector<16xi32>], vector<16xf32>,
      %mul3A_119 = arith.mulf %gather3A_117, %gather3A_118 : vector<16xf32>
      %add3A_120 = arith.addf %add3A_114, %mul3A_119 : vector<16xf32>
      %broadcast_in_dim3A_121 = arith.constant 16 : i32
      %broadcast_in_dim3A_122 = vector.broadcast %broadcast_in_dim3A_121 : i32 to vector<16xi32>
      %gather3A_123 = tpu.vector_load_idx %arg9[%add3A_24, %broadcast_in_dim3A_122] : memref<512x32xf32, #tpu.memory_space<vmem>>[vector<16xi32>, vector<16xi32>], vector<16xf32>,
      %gather3A_124 = tpu.vector_load_idx %arg10[%add3A_24, %broadcast_in_dim3A_122] : memref<512x32xf32, #tpu.memory_space<vmem>>[vector<16xi32>, vector<16xi32>], vector<16xf32>,
      %mul3A_125 = arith.mulf %gather3A_123, %gather3A_124 : vector<16xf32>
      %add3A_126 = arith.addf %add3A_120, %mul3A_125 : vector<16xf32>
      %broadcast_in_dim3A_127 = arith.constant 17 : i32
      %broadcast_in_dim3A_128 = vector.broadcast %broadcast_in_dim3A_127 : i32 to vector<16xi32>
      %gather3A_129 = tpu.vector_load_idx %arg9[%add3A_24, %broadcast_in_dim3A_128] : memref<512x32xf32, #tpu.memory_space<vmem>>[vector<16xi32>, vector<16xi32>], vector<16xf32>,
      %gather3A_130 = tpu.vector_load_idx %arg10[%add3A_24, %broadcast_in_dim3A_128] : memref<512x32xf32, #tpu.memory_space<vmem>>[vector<16xi32>, vector<16xi32>], vector<16xf32>,
      %mul3A_131 = arith.mulf %gather3A_129, %gather3A_130 : vector<16xf32>
      %add3A_132 = arith.addf %add3A_126, %mul3A_131 : vector<16xf32>
      %broadcast_in_dim3A_133 = arith.constant 18 : i32
      %broadcast_in_dim3A_134 = vector.broadcast %broadcast_in_dim3A_133 : i32 to vector<16xi32>
      %gather3A_135 = tpu.vector_load_idx %arg9[%add3A_24, %broadcast_in_dim3A_134] : memref<512x32xf32, #tpu.memory_space<vmem>>[vector<16xi32>, vector<16xi32>], vector<16xf32>,
      %gather3A_136 = tpu.vector_load_idx %arg10[%add3A_24, %broadcast_in_dim3A_134] : memref<512x32xf32, #tpu.memory_space<vmem>>[vector<16xi32>, vector<16xi32>], vector<16xf32>,
      %mul3A_137 = arith.mulf %gather3A_135, %gather3A_136 : vector<16xf32>
      %add3A_138 = arith.addf %add3A_132, %mul3A_137 : vector<16xf32>
      %broadcast_in_dim3A_139 = arith.constant 19 : i32
      %broadcast_in_dim3A_140 = vector.broadcast %broadcast_in_dim3A_139 : i32 to vector<16xi32>
      %gather3A_141 = tpu.vector_load_idx %arg9[%add3A_24, %broadcast_in_dim3A_140] : memref<512x32xf32, #tpu.memory_space<vmem>>[vector<16xi32>, vector<16xi32>], vector<16xf32>,
      %gather3A_142 = tpu.vector_load_idx %arg10[%add3A_24, %broadcast_in_dim3A_140] : memref<512x32xf32, #tpu.memory_space<vmem>>[vector<16xi32>, vector<16xi32>], vector<16xf32>,
      %mul3A_143 = arith.mulf %gather3A_141, %gather3A_142 : vector<16xf32>
      %add3A_144 = arith.addf %add3A_138, %mul3A_143 : vector<16xf32>
      %broadcast_in_dim3A_145 = arith.constant 20 : i32
      %broadcast_in_dim3A_146 = vector.broadcast %broadcast_in_dim3A_145 : i32 to vector<16xi32>
      %gather3A_147 = tpu.vector_load_idx %arg9[%add3A_24, %broadcast_in_dim3A_146] : memref<512x32xf32, #tpu.memory_space<vmem>>[vector<16xi32>, vector<16xi32>], vector<16xf32>,
      %gather3A_148 = tpu.vector_load_idx %arg10[%add3A_24, %broadcast_in_dim3A_146] : memref<512x32xf32, #tpu.memory_space<vmem>>[vector<16xi32>, vector<16xi32>], vector<16xf32>,
      %mul3A_149 = arith.mulf %gather3A_147, %gather3A_148 : vector<16xf32>
      %add3A_150 = arith.addf %add3A_144, %mul3A_149 : vector<16xf32>
      %broadcast_in_dim3A_151 = arith.constant 21 : i32
      %broadcast_in_dim3A_152 = vector.broadcast %broadcast_in_dim3A_151 : i32 to vector<16xi32>
      %gather3A_153 = tpu.vector_load_idx %arg9[%add3A_24, %broadcast_in_dim3A_152] : memref<512x32xf32, #tpu.memory_space<vmem>>[vector<16xi32>, vector<16xi32>], vector<16xf32>,
      %gather3A_154 = tpu.vector_load_idx %arg10[%add3A_24, %broadcast_in_dim3A_152] : memref<512x32xf32, #tpu.memory_space<vmem>>[vector<16xi32>, vector<16xi32>], vector<16xf32>,
      %mul3A_155 = arith.mulf %gather3A_153, %gather3A_154 : vector<16xf32>
      %add3A_156 = arith.addf %add3A_150, %mul3A_155 : vector<16xf32>
      %broadcast_in_dim3A_157 = arith.constant 22 : i32
      %broadcast_in_dim3A_158 = vector.broadcast %broadcast_in_dim3A_157 : i32 to vector<16xi32>
      %gather3A_159 = tpu.vector_load_idx %arg9[%add3A_24, %broadcast_in_dim3A_158] : memref<512x32xf32, #tpu.memory_space<vmem>>[vector<16xi32>, vector<16xi32>], vector<16xf32>,
      %gather3A_160 = tpu.vector_load_idx %arg10[%add3A_24, %broadcast_in_dim3A_158] : memref<512x32xf32, #tpu.memory_space<vmem>>[vector<16xi32>, vector<16xi32>], vector<16xf32>,
      %mul3A_161 = arith.mulf %gather3A_159, %gather3A_160 : vector<16xf32>
      %add3A_162 = arith.addf %add3A_156, %mul3A_161 : vector<16xf32>
      %broadcast_in_dim3A_163 = arith.constant 23 : i32
      %broadcast_in_dim3A_164 = vector.broadcast %broadcast_in_dim3A_163 : i32 to vector<16xi32>
      %gather3A_165 = tpu.vector_load_idx %arg9[%add3A_24, %broadcast_in_dim3A_164] : memref<512x32xf32, #tpu.memory_space<vmem>>[vector<16xi32>, vector<16xi32>], vector<16xf32>,
      %gather3A_166 = tpu.vector_load_idx %arg10[%add3A_24, %broadcast_in_dim3A_164] : memref<512x32xf32, #tpu.memory_space<vmem>>[vector<16xi32>, vector<16xi32>], vector<16xf32>,
      %mul3A_167 = arith.mulf %gather3A_165, %gather3A_166 : vector<16xf32>
      %add3A_168 = arith.addf %add3A_162, %mul3A_167 : vector<16xf32>
      %broadcast_in_dim3A_169 = arith.constant 24 : i32
      %broadcast_in_dim3A_170 = vector.broadcast %broadcast_in_dim3A_169 : i32 to vector<16xi32>
      %gather3A_171 = tpu.vector_load_idx %arg9[%add3A_24, %broadcast_in_dim3A_170] : memref<512x32xf32, #tpu.memory_space<vmem>>[vector<16xi32>, vector<16xi32>], vector<16xf32>,
      %gather3A_172 = tpu.vector_load_idx %arg10[%add3A_24, %broadcast_in_dim3A_170] : memref<512x32xf32, #tpu.memory_space<vmem>>[vector<16xi32>, vector<16xi32>], vector<16xf32>,
      %mul3A_173 = arith.mulf %gather3A_171, %gather3A_172 : vector<16xf32>
      %add3A_174 = arith.addf %add3A_168, %mul3A_173 : vector<16xf32>
      %broadcast_in_dim3A_175 = arith.constant 25 : i32
      %broadcast_in_dim3A_176 = vector.broadcast %broadcast_in_dim3A_175 : i32 to vector<16xi32>
      %gather3A_177 = tpu.vector_load_idx %arg9[%add3A_24, %broadcast_in_dim3A_176] : memref<512x32xf32, #tpu.memory_space<vmem>>[vector<16xi32>, vector<16xi32>], vector<16xf32>,
      %gather3A_178 = tpu.vector_load_idx %arg10[%add3A_24, %broadcast_in_dim3A_176] : memref<512x32xf32, #tpu.memory_space<vmem>>[vector<16xi32>, vector<16xi32>], vector<16xf32>,
      %mul3A_179 = arith.mulf %gather3A_177, %gather3A_178 : vector<16xf32>
      %add3A_180 = arith.addf %add3A_174, %mul3A_179 : vector<16xf32>
      %broadcast_in_dim3A_181 = arith.constant 26 : i32
      %broadcast_in_dim3A_182 = vector.broadcast %broadcast_in_dim3A_181 : i32 to vector<16xi32>
      %gather3A_183 = tpu.vector_load_idx %arg9[%add3A_24, %broadcast_in_dim3A_182] : memref<512x32xf32, #tpu.memory_space<vmem>>[vector<16xi32>, vector<16xi32>], vector<16xf32>,
      %gather3A_184 = tpu.vector_load_idx %arg10[%add3A_24, %broadcast_in_dim3A_182] : memref<512x32xf32, #tpu.memory_space<vmem>>[vector<16xi32>, vector<16xi32>], vector<16xf32>,
      %mul3A_185 = arith.mulf %gather3A_183, %gather3A_184 : vector<16xf32>
      %add3A_186 = arith.addf %add3A_180, %mul3A_185 : vector<16xf32>
      %broadcast_in_dim3A_187 = arith.constant 27 : i32
      %broadcast_in_dim3A_188 = vector.broadcast %broadcast_in_dim3A_187 : i32 to vector<16xi32>
      %gather3A_189 = tpu.vector_load_idx %arg9[%add3A_24, %broadcast_in_dim3A_188] : memref<512x32xf32, #tpu.memory_space<vmem>>[vector<16xi32>, vector<16xi32>], vector<16xf32>,
      %gather3A_190 = tpu.vector_load_idx %arg10[%add3A_24, %broadcast_in_dim3A_188] : memref<512x32xf32, #tpu.memory_space<vmem>>[vector<16xi32>, vector<16xi32>], vector<16xf32>,
      %mul3A_191 = arith.mulf %gather3A_189, %gather3A_190 : vector<16xf32>
      %add3A_192 = arith.addf %add3A_186, %mul3A_191 : vector<16xf32>
      %broadcast_in_dim3A_193 = arith.constant 28 : i32
      %broadcast_in_dim3A_194 = vector.broadcast %broadcast_in_dim3A_193 : i32 to vector<16xi32>
      %gather3A_195 = tpu.vector_load_idx %arg9[%add3A_24, %broadcast_in_dim3A_194] : memref<512x32xf32, #tpu.memory_space<vmem>>[vector<16xi32>, vector<16xi32>], vector<16xf32>,
      %gather3A_196 = tpu.vector_load_idx %arg10[%add3A_24, %broadcast_in_dim3A_194] : memref<512x32xf32, #tpu.memory_space<vmem>>[vector<16xi32>, vector<16xi32>], vector<16xf32>,
      %mul3A_197 = arith.mulf %gather3A_195, %gather3A_196 : vector<16xf32>
      %add3A_198 = arith.addf %add3A_192, %mul3A_197 : vector<16xf32>
      %broadcast_in_dim3A_199 = arith.constant 29 : i32
      %broadcast_in_dim3A_200 = vector.broadcast %broadcast_in_dim3A_199 : i32 to vector<16xi32>
      %gather3A_201 = tpu.vector_load_idx %arg9[%add3A_24, %broadcast_in_dim3A_200] : memref<512x32xf32, #tpu.memory_space<vmem>>[vector<16xi32>, vector<16xi32>], vector<16xf32>,
      %gather3A_202 = tpu.vector_load_idx %arg10[%add3A_24, %broadcast_in_dim3A_200] : memref<512x32xf32, #tpu.memory_space<vmem>>[vector<16xi32>, vector<16xi32>], vector<16xf32>,
      %mul3A_203 = arith.mulf %gather3A_201, %gather3A_202 : vector<16xf32>
      %add3A_204 = arith.addf %add3A_198, %mul3A_203 : vector<16xf32>
      %broadcast_in_dim3A_205 = arith.constant 30 : i32
      %broadcast_in_dim3A_206 = vector.broadcast %broadcast_in_dim3A_205 : i32 to vector<16xi32>
      %gather3A_207 = tpu.vector_load_idx %arg9[%add3A_24, %broadcast_in_dim3A_206] : memref<512x32xf32, #tpu.memory_space<vmem>>[vector<16xi32>, vector<16xi32>], vector<16xf32>,
      %gather3A_208 = tpu.vector_load_idx %arg10[%add3A_24, %broadcast_in_dim3A_206] : memref<512x32xf32, #tpu.memory_space<vmem>>[vector<16xi32>, vector<16xi32>], vector<16xf32>,
      %mul3A_209 = arith.mulf %gather3A_207, %gather3A_208 : vector<16xf32>
      %add3A_210 = arith.addf %add3A_204, %mul3A_209 : vector<16xf32>
      %broadcast_in_dim3A_211 = arith.constant 31 : i32
      %broadcast_in_dim3A_212 = vector.broadcast %broadcast_in_dim3A_211 : i32 to vector<16xi32>
      %gather3A_213 = tpu.vector_load_idx %arg9[%add3A_24, %broadcast_in_dim3A_212] : memref<512x32xf32, #tpu.memory_space<vmem>>[vector<16xi32>, vector<16xi32>], vector<16xf32>,
      %gather3A_214 = tpu.vector_load_idx %arg10[%add3A_24, %broadcast_in_dim3A_212] : memref<512x32xf32, #tpu.memory_space<vmem>>[vector<16xi32>, vector<16xi32>], vector<16xf32>,
      %mul3A_215 = arith.mulf %gather3A_213, %gather3A_214 : vector<16xf32>
      %add3A_216 = arith.addf %add3A_210, %mul3A_215 : vector<16xf32>
      %mul3A_217 = arith.constant 16 : i32
      %mul3A_218 = arith.muli %scan3A_19, %mul3A_217 : i32
      %swap3A = arith.index_cast %mul3A_218 : i32 to index
      %swap3A_219 = tpu.vector_load %arg11[%swap3A] {strides = array<i32>} : memref<512xf32, #tpu.memory_space<vmem>>, vector<16xf32>,
      tpu.vector_store %arg11[%swap3A], %add3A_216 {strides = array<i32>} : memref<512xf32, #tpu.memory_space<vmem>>, vector<16xf32>,
      %scan3A_220 = arith.constant 0 : i32
      scf.yield %scan3A_220 : i32
    }
    %scan3A_18 = arith.constant 32 : i32
    "tpu.region"() ({
      %run_scoped3A = tpu.sem_alloc : memref<!tpu.dma_semaphore, #tpu.memory_space<semaphore_mem>>
      %dma_start3A_19 = tpu.memref_slice %arg6[%mul3A_2] : memref<16384xf32, #tpu.memory_space<hbm>> -> memref<512xf32, #tpu.memory_space<hbm>>
      %dma_start3A_20 = tpu.memref_slice %arg6[%mul3A_2] : memref<16384xf32, #tpu.memory_space<hbm>> -> memref<512xf32, #tpu.memory_space<hbm>>
      tpu.enqueue_dma source(%arg11 : memref<512xf32, #tpu.memory_space<vmem>>) target(%dma_start3A_20 : memref<512xf32, #tpu.memory_space<hbm>>) target_semaphore(%run_scoped3A : memref<!tpu.dma_semaphore, #tpu.memory_space<semaphore_mem>>)
      %dma_wait3A_21 = tpu.memref_slice %arg6[%mul3A_2] : memref<16384xf32, #tpu.memory_space<hbm>> -> memref<512xf32, #tpu.memory_space<hbm>>
      %dma_wait3A_22 = tpu.memref_slice %arg6[%mul3A_2] : memref<16384xf32, #tpu.memory_space<hbm>> -> memref<512xf32, #tpu.memory_space<hbm>>
      tpu.wait_dma2 semaphore(%run_scoped3A : memref<!tpu.dma_semaphore, #tpu.memory_space<semaphore_mem>>) src(%arg11 : memref<512xf32, #tpu.memory_space<vmem>>) dst(%dma_wait3A_22 : memref<512xf32, #tpu.memory_space<hbm>>)
      tpu.yield
    }) : () -> ()
    return
  }
}

</mosaic_0001>

<sc_bundles>
// kernel: kernel.3.cloned.1.call-start
scs
__scs_entry_jumppad:
0x0: {  	(pc) =	sbr.rel $0x88, $3  }
0x1: {  	(tag) =	ssettag $0x0;
	lr =	simm.s32 $0x1  }
0x2: {  	[smem:$0x3F9D] =	sst lr;
	_ =	strace $0xD0000000  }
0x3: {  	_ = 	snop  }
0x4: {  	_ = 	snop  }
0x5: {  	_ = 	snop  }
0x6: {  	_ = 	snop  }
0x7: {  	_ = 	snop  }
__scs_overlays_trampoline_lowered:
0x8: {  	[smem:$0x3FAC] =	sst s0  }
0x9: {  	[smem:$0x3FAD] =	sst s1  }
0xa: {  	[smem:$0x3FAE] =	sst s2  }
0xb: {  	[smem:$0x3FAF] =	sst s3  }
0xc: {  	[smem:$0x3FB0] =	sst s4  }
0xd: {  	[smem:$0x3FB1] =	sst s5  }
0xe: {  	[smem:$0x3FB2] =	sst s6  }
0xf: {  	[smem:$0x3FB3] =	sst s7  }
0x10: {  	[smem:$0x3FB4] =	sst s8  }
0x11: {  	[smem:$0x3FB5] =	sst s9;
	s0 =	simm.s32 @!p0 $0x0  }
0x12: {  	s1 =	sld [smem:$0x3F9B];
	s0 =	simm.s32 @p0 $0x1  }
0x13: {  	[smem:$0x3FB6] =	sst s0;
	s0 =	simm.s32 @!p1 $0x0  }
0x14: {  	s2 =	sld [smem:$0x3F9A];
	s0 =	simm.s32 @p1 $0x1  }
0x15: {  	[smem:$0x3FB7] =	sst s0;
	s0 =	simm.s32 @!p2 $0x0  }
0x16: {  	s3 =	sld [smem:$0x3FDB];
	s0 =	simm.s32 @p2 $0x1  }
0x17: {  	s4 =	simm.s32 $0x1BF5;
	[smem:$0x3FB9] =	sst s0  }
0x18: {  	s0 =	sld [smem:$0x3F9C];
	_ =	swait.ge [sflag:s4], $0x0  }
0x19: {  	s7 =	sld [smem:$0x3F9D]  }
0x1a: {  	s8 =	sadd.s32 $0xFFFFE003, lr  }
0x1b: {  	s9 =	sadd.s32 $0xFFFFFEF7, lr;
	s5 =	simm.s32 $0xFFFFFFFF;
	p2 =	slt.u32 s8, $0xFFFFF086  }
0x1c: {  	p1 =	slt.u32 s9, $0xF7A;
	s5 =	simm.s32 @!p2 $0x0  }
0x1d: {  	s5 =	simm.s32 @p1 $0x1;
	p0 =	seq.s32 s7, s2  }
0x1e: {  	s7 =	smul.u32 @!p0 $0xF7A, s2;
	p2 =	seq.s32 @!p0 s5, $0x0  }
0x1f: {  	s9 =	smul.u32 $0xF7A, s1;
	s8 =	simm.s32 @!p0 $0x1BF5;
	p2 =	por !p2, p0  }
0x20: {  	[sflag:s8] =	ssyncset.s32 @!p0 $0xFFFFF086;
	s6 =	sadd.s32 @!p0 s3, s7;
	s7 =	simm.s32 @!p0 $0x108  }
0x21: {  	s3 =	sadd.s32 s3, s9;
	s6 =	sadd.s32 @!p0 $0x88, s6;
	s7 =	simm.s32 @p2 $0x1082  }
0x22: {  	[simem:s7], [sflag:s8] =	dma.local @!p0 [hbm:s6], $0xF7A  }
0x23: {  	s9 =	sor.u32 $0xD0000000, s2;
	s6 =	simm.s32 $0x108;
	_ =	swait.ge @!p0 [sflag:s8], $0x0  }
0x24: {  	s3 =	sadd.s32 $0x88, s3;
	s6 =	simm.s32 @!p1 $0x1082;
	[sflag:s4] =	ssyncset.s32 $0xFFFFF086  }
0x25: {  	[simem:s6], [sflag:s4] =	dma.local [hbm:s3], $0xF7A  }
0x26: {  	[smem:$0x3F9D] =	sst s1;
	(tag) =	ssettag s2;
	_ =	strace s9  }
0x27: {  	s1 =	sld [smem:$0x3FAD]  }
0x28: {  	s2 =	sld [smem:$0x3FAE]  }
0x29: {  	s4 =	sld [smem:$0x3FB0]  }
0x2a: {  	p0 =	seq.s32 s5, $0x0;
	s5 =	sld [smem:$0x3FB1]  }
0x2b: {  	s6 =	sld [smem:$0x3FB2]  }
0x2c: {  	s7 =	sld [smem:$0x3FB3]  }
0x2d: {  	s3 =	simm.s32 $0x108;
	s8 =	sld [smem:$0x3FB4]  }
0x2e: {  	s3 =	simm.s32 @!p0 $0x1082;
	s9 =	sld [smem:$0x3FB5]  }
0x2f: {  	lr =	sadd.s32 s0, s3;
	s0 =	sld [smem:$0x3FAC]  }
0x30: {  	s3 =	sld [smem:$0x3FAF]  }
0x31: {  	[smem:$0x3FB8] =	sst s10  }
0x32: {  	s10 =	sld [smem:$0x3FB6];
	_ =	sdelay $0x3  }
0x33: {  	p0 =	seq.s32 s10, $0x1;
	s10 =	sld [smem:$0x3FB8];
	_ =	sdelay $0x3  }
0x34: {  	[smem:$0x3FB8] =	sst s10  }
0x35: {  	s10 =	sld [smem:$0x3FB7];
	_ =	sdelay $0x3  }
0x36: {  	p1 =	seq.s32 s10, $0x1;
	s10 =	sld [smem:$0x3FB8];
	_ =	sdelay $0x3  }
0x37: {  	[smem:$0x3FB8] =	sst s10  }
0x38: {  	s10 =	sld [smem:$0x3FB9]  }
0x39: {  	_ = 	snop;
	(pc) =	sbr.ind lr, $3  }
0x3a: {  	_ = 	snop  }
0x3b: {  	_ = 	snop  }
0x3c: {  	p2 =	seq.s32 s10, $0x1;
	s10 =	sld [smem:$0x3FB8]  }
0x3d: {  	_ =	shalt  }
0x3e: {  	_ =	shalt  }
0x3f: {  	_ =	shalt  }
0x40: {  	_ =	shalt  }
0x41: {  	_ =	shalt  }
0x42: {  	_ =	shalt  }
0x43: {  	_ =	shalt  }
0x44: {  	_ =	shalt  }
0x45: {  	_ =	shalt  }
0x46: {  	_ =	shalt  }
0x47: {  	_ =	shalt  }
0x48: {  	_ =	shalt  }
0x49: {  	_ =	shalt  }
0x4a: {  	_ =	shalt  }
0x4b: {  	_ =	shalt  }
0x4c: {  	_ =	shalt  }
0x4d: {  	_ =	shalt  }
0x4e: {  	_ =	shalt  }
0x4f: {  	_ =	shalt  }
0x50: {  	_ =	shalt  }
0x51: {  	_ =	shalt  }
0x52: {  	_ =	shalt  }
0x53: {  	_ =	shalt  }
0x54: {  	_ =	shalt  }
0x55: {  	_ =	shalt  }
0x56: {  	_ =	shalt  }
0x57: {  	_ =	shalt  }
0x58: {  	_ =	shalt  }
0x59: {  	_ =	shalt  }
0x5a: {  	_ =	shalt  }
0x5b: {  	_ =	shalt  }
0x5c: {  	_ =	shalt  }
0x5d: {  	_ =	shalt  }
0x5e: {  	_ =	shalt  }
0x5f: {  	_ =	shalt  }
0x60: {  	_ =	shalt  }
0x61: {  	_ =	shalt  }
0x62: {  	_ =	shalt  }
0x63: {  	_ =	shalt  }
0x64: {  	_ =	shalt  }
0x65: {  	_ =	shalt  }
0x66: {  	_ =	shalt  }
0x67: {  	_ =	shalt  }
0x68: {  	_ =	shalt  }
0x69: {  	_ =	shalt  }
0x6a: {  	_ =	shalt  }
0x6b: {  	_ =	shalt  }
0x6c: {  	_ =	shalt  }
0x6d: {  	_ =	shalt  }
0x6e: {  	_ =	shalt  }
0x6f: {  	_ =	shalt  }
0x70: {  	_ =	shalt  }
0x71: {  	_ =	shalt  }
0x72: {  	_ =	shalt  }
0x73: {  	_ =	shalt  }
0x74: {  	_ =	shalt  }
0x75: {  	_ =	shalt  }
0x76: {  	_ =	shalt  }
0x77: {  	_ =	shalt  }
0x78: {  	_ =	shalt  }
0x79: {  	_ =	shalt  }
0x7a: {  	_ =	shalt  }
0x7b: {  	_ =	shalt  }
0x7c: {  	_ =	shalt  }
0x7d: {  	_ =	shalt  }
0x7e: {  	_ =	shalt  }
0x7f: {  	_ =	shalt  }
0x80: {  	_ =	shalt  }
0x81: {  	_ =	shalt  }
0x82: {  	_ =	shalt  }
0x83: {  	_ =	shalt  }
0x84: {  	_ =	shalt  }
0x85: {  	_ =	shalt  }
0x86: {  	_ =	shalt  }
0x87: {  	_ =	shalt  }
.Lfunc_end0:
.L_simem_size_0:
called_computation_lowered:
.L_overlay_start_0:
0x88: {  	s2 =	sld [smem:$0x3FD9]  }
0x89: {  	s3 =	sld [smem:$0x3FFE];
	_ =	sdelay $0x1  }
0x8a: {  	s1 =	srdreg.scid  }
0x8b: {  	s0 =	sand.u32 $0x1, s1  }
0x8c: {  	s17 =	sshll.u32 s0, $0xA;
	s2 =	sadd.s32 s3, s2  }
0x8d: {  	s2 =	sadd.s32 s2, s17  }
0x8e: {  	[smem:$0x3FC4] =	sst s2  }
0x8f: {  	_ = 	snop  }
0x90: {  	s2 =	sld [smem:$0x3FC9]  }
0x91: {  	s18 =	sld [smem:$0x3FC8]  }
0x92: {  	s4 =	sld [smem:$0x3FD0];
	(tm) =	ssettm $0x1  }
0x93: {  	s5 =	sld [smem:$0x3FFB];
	_ =	sdelay $0x3  }
0x94: {  	_ =	strace s5  }
0x95: {  	s5 =	sld [smem:$0x3FFC];
	_ =	sdelay $0x3  }
0x96: {  	_ =	strace s5  }
0x97: {  	s5 =	sld [smem:$0x3FFD];
	_ =	sdelay $0x3  }
0x98: {  	_ =	strace s5  }
0x99: {  	_ =	strace $0x8FFFFFFF  }
0x9a: {  	s19 =	sld [smem:$0x3FDB];
	_ =	sdelay $0x1  }
0x9b: {  	s6 =	simm.s32 $_scs_section_size  }
0x9c: {  	s7 =	simm.s32 $_size__tile_overlayer_lowered;
	s8 =	simm.s32 $_tile_overlayer_lowered  }
0x9d: {  	s22 =	simm.s32 $0x1BFF;
	s21 =	sshll.u32 s8, $0x1;
	s5 =	sadd.s32 s6, s19  }
0x9e: {  	s9 =	simm.s32 $0x0;
	s20 =	sshll.u32 s7, $0x1;
	s7 =	sadd.s32 s21, s5  }
0x9f: {  	[timem:s9], [sflag:s22] =	dma.local [hbm:s7], s20  }
0xa0: {  	_ =	swait.ge [sflag:s22], s20  }
0xa1: {  	s6 =	ssub.s32 $0x0, s20;
	[sflag:s22] =	ssyncset.done $0x0  }
0xa2: {  	[sflag:s22] =	ssyncadd.s32 s6;
	_ =	sdelay $0x1  }
0xa3: {  	s23 =	simm.s32 $0x1B8B  }
0xa4: {  	_ =	swait.ge [sflag:s23], $0x1  }
0xa5: {  	[sflag:s23] =	ssyncset.done $0x0  }
0xa6: {  	s25 =	simm.s32 $0x1B8E;
	s24 =	sld [smem:$0x3FFE];
	[sflag:s23] =	ssyncadd.s32 $0xFFFFFFFF  }
0xa7: {  	s26 =	simm.s32 $execute0_lowered;
	[smem:$0x3FD2] =	sst s25  }
0xa8: {  	s7 =	sshll.u32 s26, $0x1;
	_ =	strace $0x80000046;
	[dreg:$0x1] =	wrdreg $0xFFFFFFFF  }
0xa9: {  	s28 =	simm.s32 $_size_execute0_lowered;
	s5 =	sadd.s32 s5, s7;
	[dreg:$0x0] =	wrdreg $0x0  }
0xaa: {  	s7 =	sshll.u32 s28, $0x1;
	[dreg:$0x2] =	wrdreg s5  }
0xab: {  	[dreg:$0x3] =	wrdreg s7  }
0xac: {  	[dreg:$0x4] =	wrdreg $0xC0  }
0xad: {  	_ =	task [dreg:s9], $0x5FFFF  }
0xae: {  	[dreg:$0x1] =	wrdreg $0xFFFFFFFF  }
0xaf: {  	[dreg:$0x0] =	wrdreg $0x60  }
0xb0: {  	[dreg:$0x2] =	wrdreg s2  }
0xb1: {  	[dreg:$0x3] =	wrdreg s18  }
0xb2: {  	[dreg:$0x4] =	wrdreg s24  }
0xb3: {  	[dreg:$0x5] =	wrdreg s4  }
0xb4: {  	[dreg:$0x6] =	wrdreg $0x9  }
0xb5: {  	_ =	task.clear_ibuf [dreg:s9], $0x7FFFF;
	_ =	strace $0x90000046  }
0xb6: {  	s29 =	simm.s32 $0x9;
	_ =	strace $0x80000048  }
0xb7: {  	_ =	swait.ge [sflag:s29], $0x1  }
0xb8: {  	[sflag:s29] =	ssyncadd.s32 $0xFFFFFFFF  }
0xb9: {  	_ =	strace $0x90000048  }
0xba: {  	_ =	sfence  }
0xbb: {  	s30 =	sld [smem:$0x0];
	_ =	sdelay $0x2  }
0xbc: {  	s31 =	sshll.u32 s1, $0xD;
	s1 =	sshrl.u32 s1, $0x2  }
0xbd: {  	s3 =	sand.u32 $0x4000, s31;
	s1 =	sadd.s32 s1, s30  }
0xbe: {  	s0 =	sor.u32 s3, s0;
	s1 =	sshll.u32 s1, $0x11  }
0xbf: {  	s0 =	sor.u32 s1, s0  }
0xc0: {  	s0 =	sadd.s32 $0x8F2B, s0  }
0xc1: {  	[sflag:s0] =	ssyncadd.remote.s32 $0x1  }
0xc2: {  	_ =	sfence.sel $0xFFFF  }
0xc3: {  	[dreg:$0x0] =	wrdreg $0xFFFFFFFF;
	(pc) =	sbr.abs _section_cstart, $3  }
0xc4: {  	[dreg:$0x1] =	wrdreg $0xFFFFFFFF  }
0xc5: {  	_ =	task.clear_ibuf [dreg:s9], $0x2FFFF;
	_ =	strace $0x9FFFFFFF  }
0xc6: {  	(tm) =	ssettm $0x7FFFFFFF  }
0xc7: {  	_ =	shalt  }
tec
execute0_lowered:
.L_overlay_start_1:
0x0: {  	(tag) =	ssettag $0x1  }
0x1: {  	s5 =	rddreg [dreg:$0x0]  }
0x2: {  	s6 =	rddreg [dreg:$0x1]  }
0x3: {  	s4 =	rddreg [dreg:$0x2]  }
0x4: {  	s7 =	rddreg [dreg:$0x3]  }
0x5: {  	s0 =	rddreg [dreg:$0x4];
	s1 =	simm.s32 $0x0;
	s2 =	srdreg.scid  }
0x6: {  	s12 =	simm.s32 $0x4400;
	s13 =	simm.s32 $0x1;
	s14 =	simm.s32 $0x2  }
0x7: {  	s15 =	simm.s32 $0x8400;
	s16 =	simm.s32 $0x0;
	[smem:$0x7FF] =	sst s1  }
0x8: {  	s8 =	sand.u32 $0x1, s2;
	s3 =	sadd.s32 $0xF42800, s4;
	s2 =	stileid.u32  }
0x9: {  	s4 =	sadd.s32 $0x1313200, s4;
	_ =	strace $0x80000047;
	s9 =	ssub.s32 $0x2, s8  }
0xa: {  	s11 =	sshll.u32 s2, $0x7;
	s8 =	sshll.u32 s8, $0x6;
	s10 =	sshrl.u32 s9, $0x1  }
0xb: {  	v0 =	vlaneseq.u32;
	s8 =	sor.u32 s8, s11;
	s11 =	simm.s32 $0x400;
	s9 =	ssub.s32 s9, s10  }
0xc: {  	v0 =	vmul.u32 $0x20, v0;
	s5 =	sadd.s32 s5, s8;
	s6 =	sadd.s32 s6, s8;
	s7 =	sadd.s32 s7, s8  }
0xd: {  	s10 =	simm.s32 $0x200;
	s8 =	smax.u32 s9, $0x1;
	s9 =	simm.s32 $0x3  }
.LBB2_1:
0xe: {  	[tilespmem:s1], [sflag:$0x3] =	stream.linear.gather [hbm4b:s5+s1], $0x200, $0x38;
	[tilespmem:$0x8600] =	vst v63  }
0xf: {  	_ =	swait.ge [sflag:s9], $0x200  }
0x10: {  	[sflag:s9] =	ssyncset.done $0x0  }
0x11: {  	[sflag:s9] =	ssyncadd.s32 $0xFFFFFE00  }
0x12: {  	[tilespmem:s10], [sflag:$0x3] =	stream.linear.gather [hbm4b:s6+s1], $0x200, $0x38;
	[tilespmem:$0x8600] =	vst v63  }
0x13: {  	_ =	swait.ge [sflag:s9], $0x200  }
0x14: {  	[sflag:s9] =	ssyncset.done $0x0  }
0x15: {  	[sflag:s9] =	ssyncadd.s32 $0xFFFFFE00  }
0x16: {  	[tilespmem:s11], [sflag:$0x1] =	stream.indirect.gather [hbm4b:s3+s10], $0x20, s1, s10, $0xb8;
	[tilespmem:$0x8600] =	vst v63  }
0x17: {  	_ = 	snop  }
0x18: {  	v1 =	vmov s1;
	[tilespmem:s12], [sflag:$0x2] =	stream.indirect.gather [hbm4b:s4+s10], $0x20, s10, s10, $0xb8;
	[tilespmem:$0x8600] =	vst v63  }
0x19: {  	v1 =	vshll.u32 v1, $0x5;
	_ =	swait.ge [sflag:s13], $0x4000  }
0x1a: {  	v1 =	vor.u32 v0, v1;
	[sflag:s13] =	ssyncset.done $0x0  }
0x1b: {  	[sflag:s13] =	ssyncadd.s32 $0xFFFFC000  }
0x1c: {  	v2 =	vor.u32 $0x1, v1;
	_ =	swait.ge [sflag:s14], $0x4000  }
0x1d: {  	[sflag:s14] =	ssyncset.done $0x0  }
0x1e: {  	v3 =	vor.u32 $0x2, v1;
	[sflag:s14] =	ssyncadd.s32 $0xFFFFC000  }
0x1f: {  	v4 =	vld.idx.msk [tilespmem:v1+s12+$0x0], $0xffff  }
0x20: {  	v6 =	vor.u32 $0x3, v1;
	v5 =	vld.idx.msk [tilespmem:v1+s11+$0x0], $0xffff  }
0x21: {  	v7 =	vld.idx.msk [tilespmem:v2+s11+$0x0], $0xffff  }
0x22: {  	v8 =	vor.u32 $0x4, v1;
	v2 =	vld.idx.msk [tilespmem:v2+s12+$0x0], $0xffff  }
0x23: {  	v9 =	vld.idx.msk [tilespmem:v3+s11+$0x0], $0xffff  }
0x24: {  	v10 =	vor.u32 $0x5, v1;
	v3 =	vld.idx.msk [tilespmem:v3+s12+$0x0], $0xffff  }
0x25: {  	v11 =	vld.idx.msk [tilespmem:v6+s11+$0x0], $0xffff;
	v4 =	vmul.f32 v4, v5  }
0x26: {  	v5 =	vld.idx.msk [tilespmem:v6+s12+$0x0], $0xffff;
	v6 =	vor.u32 $0x6, v1  }
0x27: {  	v12 =	vld.idx.msk [tilespmem:v8+s11+$0x0], $0xffff;
	v2 =	vmul.f32 v2, v7;
	v4 =	vadd.f32 $0.0e+00, v4  }
0x28: {  	v25 =	vor.u32 $0x7, v1;
	v7 =	vld.idx.msk [tilespmem:v8+s12+$0x0], $0xffff  }
0x29: {  	v13 =	vld.idx.msk [tilespmem:v10+s11+$0x0], $0xffff;
	v3 =	vmul.f32 v3, v9;
	v2 =	vadd.f32 v2, v4  }
0x2a: {  	v26 =	vor.u32 $0x8, v1;
	v4 =	vld.idx.msk [tilespmem:v10+s12+$0x0], $0xffff  }
0x2b: {  	v27 =	vld.idx.msk [tilespmem:v6+s11+$0x0], $0xffff;
	v2 =	vadd.f32 v3, v2;
	v3 =	vmul.f32 v5, v11  }
0x2c: {  	v5 =	vld.idx.msk [tilespmem:v6+s12+$0x0], $0xffff;
	v6 =	vor.u32 $0x9, v1  }
0x2d: {  	v28 =	vld.idx.msk [tilespmem:v25+s11+$0x0], $0xffff;
	v2 =	vadd.f32 v3, v2;
	v3 =	vmul.f32 v7, v12  }
0x2e: {  	v29 =	vor.u32 $0xA, v1;
	v7 =	vld.idx.msk [tilespmem:v25+s12+$0x0], $0xffff  }
0x2f: {  	v30 =	vld.idx.msk [tilespmem:v26+s11+$0x0], $0xffff;
	v2 =	vadd.f32 v3, v2;
	v3 =	vmul.f32 v4, v13  }
0x30: {  	v31 =	vor.u32 $0xB, v1;
	v4 =	vld.idx.msk [tilespmem:v26+s12+$0x0], $0xffff  }
0x31: {  	v32 =	vld.idx.msk [tilespmem:v6+s11+$0x0], $0xffff;
	v2 =	vadd.f32 v3, v2;
	v3 =	vmul.f32 v5, v27  }
0x32: {  	v5 =	vld.idx.msk [tilespmem:v6+s12+$0x0], $0xffff;
	v6 =	vor.u32 $0xC, v1  }
0x33: {  	v33 =	vld.idx.msk [tilespmem:v29+s11+$0x0], $0xffff;
	v2 =	vadd.f32 v3, v2;
	v3 =	vmul.f32 v7, v28  }
0x34: {  	v34 =	vor.u32 $0xD, v1;
	v7 =	vld.idx.msk [tilespmem:v29+s12+$0x0], $0xffff  }
0x35: {  	v35 =	vld.idx.msk [tilespmem:v31+s11+$0x0], $0xffff;
	v2 =	vadd.f32 v3, v2;
	v3 =	vmul.f32 v4, v30  }
0x36: {  	v36 =	vor.u32 $0xE, v1;
	v4 =	vld.idx.msk [tilespmem:v31+s12+$0x0], $0xffff  }
0x37: {  	v37 =	vld.idx.msk [tilespmem:v6+s11+$0x0], $0xffff;
	v2 =	vadd.f32 v3, v2;
	v3 =	vmul.f32 v5, v32  }
0x38: {  	v5 =	vld.idx.msk [tilespmem:v6+s12+$0x0], $0xffff;
	v6 =	vor.u32 $0xF, v1  }
0x39: {  	v38 =	vld.idx.msk [tilespmem:v34+s11+$0x0], $0xffff;
	v2 =	vadd.f32 v3, v2;
	v3 =	vmul.f32 v7, v33  }
0x3a: {  	v39 =	vor.u32 $0x10, v1;
	v7 =	vld.idx.msk [tilespmem:v34+s12+$0x0], $0xffff  }
0x3b: {  	v40 =	vld.idx.msk [tilespmem:v36+s11+$0x0], $0xffff;
	v2 =	vadd.f32 v3, v2;
	v3 =	vmul.f32 v4, v35  }
0x3c: {  	v41 =	vor.u32 $0x11, v1;
	v4 =	vld.idx.msk [tilespmem:v36+s12+$0x0], $0xffff  }
0x3d: {  	v42 =	vld.idx.msk [tilespmem:v6+s11+$0x0], $0xffff;
	v2 =	vadd.f32 v3, v2;
	v3 =	vmul.f32 v5, v37  }
0x3e: {  	v5 =	vld.idx.msk [tilespmem:v6+s12+$0x0], $0xffff;
	v6 =	vor.u32 $0x12, v1  }
0x3f: {  	v43 =	vld.idx.msk [tilespmem:v39+s11+$0x0], $0xffff;
	v2 =	vadd.f32 v3, v2;
	v3 =	vmul.f32 v7, v38  }
0x40: {  	v44 =	vor.u32 $0x13, v1;
	v7 =	vld.idx.msk [tilespmem:v39+s12+$0x0], $0xffff  }
0x41: {  	v45 =	vld.idx.msk [tilespmem:v41+s11+$0x0], $0xffff;
	v2 =	vadd.f32 v3, v2;
	v3 =	vmul.f32 v4, v40  }
0x42: {  	v46 =	vor.u32 $0x14, v1;
	v4 =	vld.idx.msk [tilespmem:v41+s12+$0x0], $0xffff  }
0x43: {  	v47 =	vld.idx.msk [tilespmem:v6+s11+$0x0], $0xffff;
	v2 =	vadd.f32 v3, v2;
	v3 =	vmul.f32 v5, v42  }
0x44: {  	v5 =	vld.idx.msk [tilespmem:v6+s12+$0x0], $0xffff;
	v6 =	vor.u32 $0x15, v1  }
0x45: {  	v48 =	vld.idx.msk [tilespmem:v44+s11+$0x0], $0xffff;
	v2 =	vadd.f32 v3, v2;
	v3 =	vmul.f32 v7, v43  }
0x46: {  	v49 =	vor.u32 $0x16, v1;
	v7 =	vld.idx.msk [tilespmem:v44+s12+$0x0], $0xffff  }
0x47: {  	v50 =	vld.idx.msk [tilespmem:v46+s11+$0x0], $0xffff;
	v2 =	vadd.f32 v3, v2;
	v3 =	vmul.f32 v4, v45  }
0x48: {  	v51 =	vor.u32 $0x17, v1;
	v4 =	vld.idx.msk [tilespmem:v46+s12+$0x0], $0xffff  }
0x49: {  	v52 =	vld.idx.msk [tilespmem:v6+s11+$0x0], $0xffff;
	v2 =	vadd.f32 v3, v2;
	v3 =	vmul.f32 v5, v47  }
0x4a: {  	v5 =	vld.idx.msk [tilespmem:v6+s12+$0x0], $0xffff;
	v6 =	vor.u32 $0x18, v1  }
0x4b: {  	v53 =	vld.idx.msk [tilespmem:v49+s11+$0x0], $0xffff;
	v2 =	vadd.f32 v3, v2;
	v3 =	vmul.f32 v7, v48  }
0x4c: {  	v54 =	vor.u32 $0x19, v1;
	v7 =	vld.idx.msk [tilespmem:v49+s12+$0x0], $0xffff  }
0x4d: {  	v55 =	vld.idx.msk [tilespmem:v51+s11+$0x0], $0xffff;
	v2 =	vadd.f32 v3, v2;
	v3 =	vmul.f32 v4, v50  }
0x4e: {  	v56 =	vor.u32 $0x1A, v1;
	v4 =	vld.idx.msk [tilespmem:v51+s12+$0x0], $0xffff  }
0x4f: {  	v57 =	vld.idx.msk [tilespmem:v6+s11+$0x0], $0xffff;
	v2 =	vadd.f32 v3, v2;
	v3 =	vmul.f32 v5, v52  }
0x50: {  	v5 =	vld.idx.msk [tilespmem:v6+s12+$0x0], $0xffff;
	v6 =	vor.u32 $0x1B, v1  }
0x51: {  	v58 =	vld.idx.msk [tilespmem:v54+s11+$0x0], $0xffff;
	v2 =	vadd.f32 v3, v2;
	v3 =	vmul.f32 v7, v53  }
0x52: {  	v59 =	vor.u32 $0x1C, v1;
	v7 =	vld.idx.msk [tilespmem:v54+s12+$0x0], $0xffff  }
0x53: {  	v60 =	vld.idx.msk [tilespmem:v56+s11+$0x0], $0xffff;
	v2 =	vadd.f32 v3, v2;
	v3 =	vmul.f32 v4, v55  }
0x54: {  	v61 =	vor.u32 $0x1D, v1;
	v4 =	vld.idx.msk [tilespmem:v56+s12+$0x0], $0xffff  }
0x55: {  	v62 =	vld.idx.msk [tilespmem:v6+s11+$0x0], $0xffff;
	v2 =	vadd.f32 v3, v2;
	v3 =	vmul.f32 v5, v57  }
0x56: {  	v5 =	vld.idx.msk [tilespmem:v6+s12+$0x0], $0xffff;
	v6 =	vor.u32 $0x1E, v1  }
0x57: {  	v63 =	vld.idx.msk [tilespmem:v59+s11+$0x0], $0xffff;
	v2 =	vadd.f32 v3, v2;
	v3 =	vmul.f32 v7, v58  }
0x58: {  	v1 =	vor.u32 $0x1F, v1;
	v7 =	vld.idx.msk [tilespmem:v59+s12+$0x0], $0xffff  }
0x59: {  	v15 =	vld.idx.msk [tilespmem:v61+s11+$0x0], $0xffff;
	v2 =	vadd.f32 v3, v2;
	v3 =	vmul.f32 v4, v60  }
0x5a: {  	v4 =	vld.idx.msk [tilespmem:v61+s12+$0x0], $0xffff  }
0x5b: {  	v16 =	vld.idx.msk [tilespmem:v6+s11+$0x0], $0xffff;
	v2 =	vadd.f32 v3, v2;
	v3 =	vmul.f32 v5, v62  }
0x5c: {  	v5 =	vld.idx.msk [tilespmem:v6+s12+$0x0], $0xffff  }
0x5d: {  	v6 =	vld.idx.msk [tilespmem:v1+s11+$0x0], $0xffff;
	v2 =	vadd.f32 v3, v2;
	v3 =	vmul.f32 v7, v63  }
0x5e: {  	v7 =	vld.idx.msk [tilespmem:v1+s12+$0x0], $0xffff  }
0x5f: {  	v1 =	vadd.f32 v3, v2;
	v2 =	vmul.f32 v4, v15  }
0x60: {  	s17 =	simm.s32 $0x10  }
0x61: {  	v3 =	vmov s17;
	v4 =	vmul.f32 v5, v16;
	v2 =	vadd.f32 v2, v1  }
0x62: {  	v1 =	vshll.u32 v3, $0x5  }
0x63: {  	v1 =	vor.u32 v0, v1;
	v3 =	vmul.f32 v7, v6;
	v2 =	vadd.f32 v4, v2;
	_ =	sdelay $0x1  }
0x64: {  	v4 =	vor.u32 $0x1, v1;
	v2 =	vadd.f32 v3, v2;
	_ =	sdelay $0x1  }
0x65: {  	v3 =	vor.u32 $0x2, v1;
	[tilespmem:s15+$0x0] =	vst v2  }
0x66: {  	v2 =	vld.idx.msk [tilespmem:v1+s12+$0x0], $0xffff  }
0x67: {  	v6 =	vor.u32 $0x3, v1;
	v5 =	vld.idx.msk [tilespmem:v1+s11+$0x0], $0xffff  }
0x68: {  	v7 =	vld.idx.msk [tilespmem:v4+s11+$0x0], $0xffff  }
0x69: {  	v17 =	vor.u32 $0x4, v1;
	v4 =	vld.idx.msk [tilespmem:v4+s12+$0x0], $0xffff  }
0x6a: {  	v18 =	vld.idx.msk [tilespmem:v3+s11+$0x0], $0xffff  }
0x6b: {  	v19 =	vor.u32 $0x5, v1;
	v3 =	vld.idx.msk [tilespmem:v3+s12+$0x0], $0xffff  }
0x6c: {  	v20 =	vld.idx.msk [tilespmem:v6+s11+$0x0], $0xffff;
	v2 =	vmul.f32 v2, v5  }
0x6d: {  	v5 =	vld.idx.msk [tilespmem:v6+s12+$0x0], $0xffff;
	v6 =	vor.u32 $0x6, v1  }
0x6e: {  	v21 =	vld.idx.msk [tilespmem:v17+s11+$0x0], $0xffff;
	v4 =	vmul.f32 v4, v7;
	v2 =	vadd.f32 $0.0e+00, v2  }
0x6f: {  	v22 =	vor.u32 $0x7, v1;
	v7 =	vld.idx.msk [tilespmem:v17+s12+$0x0], $0xffff  }
0x70: {  	v23 =	vld.idx.msk [tilespmem:v19+s11+$0x0], $0xffff;
	v3 =	vmul.f32 v3, v18;
	v2 =	vadd.f32 v4, v2  }
0x71: {  	v24 =	vor.u32 $0x8, v1;
	v4 =	vld.idx.msk [tilespmem:v19+s12+$0x0], $0xffff  }
0x72: {  	v25 =	vld.idx.msk [tilespmem:v6+s11+$0x0], $0xffff;
	v2 =	vadd.f32 v3, v2;
	v3 =	vmul.f32 v5, v20  }
0x73: {  	v5 =	vld.idx.msk [tilespmem:v6+s12+$0x0], $0xffff;
	v6 =	vor.u32 $0x9, v1  }
0x74: {  	v26 =	vld.idx.msk [tilespmem:v22+s11+$0x0], $0xffff;
	v2 =	vadd.f32 v3, v2;
	v3 =	vmul.f32 v7, v21  }
0x75: {  	v27 =	vor.u32 $0xA, v1;
	v7 =	vld.idx.msk [tilespmem:v22+s12+$0x0], $0xffff  }
0x76: {  	v28 =	vld.idx.msk [tilespmem:v24+s11+$0x0], $0xffff;
	v2 =	vadd.f32 v3, v2;
	v3 =	vmul.f32 v4, v23  }
0x77: {  	v29 =	vor.u32 $0xB, v1;
	v4 =	vld.idx.msk [tilespmem:v24+s12+$0x0], $0xffff  }
0x78: {  	v30 =	vld.idx.msk [tilespmem:v6+s11+$0x0], $0xffff;
	v2 =	vadd.f32 v3, v2;
	v3 =	vmul.f32 v5, v25  }
0x79: {  	v5 =	vld.idx.msk [tilespmem:v6+s12+$0x0], $0xffff;
	v6 =	vor.u32 $0xC, v1  }
0x7a: {  	v31 =	vld.idx.msk [tilespmem:v27+s11+$0x0], $0xffff;
	v2 =	vadd.f32 v3, v2;
	v3 =	vmul.f32 v7, v26  }
0x7b: {  	v32 =	vor.u32 $0xD, v1;
	v7 =	vld.idx.msk [tilespmem:v27+s12+$0x0], $0xffff  }
0x7c: {  	v33 =	vld.idx.msk [tilespmem:v29+s11+$0x0], $0xffff;
	v2 =	vadd.f32 v3, v2;
	v3 =	vmul.f32 v4, v28  }
0x7d: {  	v34 =	vor.u32 $0xE, v1;
	v4 =	vld.idx.msk [tilespmem:v29+s12+$0x0], $0xffff  }
0x7e: {  	v35 =	vld.idx.msk [tilespmem:v6+s11+$0x0], $0xffff;
	v2 =	vadd.f32 v3, v2;
	v3 =	vmul.f32 v5, v30  }
0x7f: {  	v5 =	vld.idx.msk [tilespmem:v6+s12+$0x0], $0xffff;
	v6 =	vor.u32 $0xF, v1  }
0x80: {  	v36 =	vld.idx.msk [tilespmem:v32+s11+$0x0], $0xffff;
	v2 =	vadd.f32 v3, v2;
	v3 =	vmul.f32 v7, v31  }
0x81: {  	v37 =	vor.u32 $0x10, v1;
	v7 =	vld.idx.msk [tilespmem:v32+s12+$0x0], $0xffff  }
0x82: {  	v38 =	vld.idx.msk [tilespmem:v34+s11+$0x0], $0xffff;
	v2 =	vadd.f32 v3, v2;
	v3 =	vmul.f32 v4, v33  }
0x83: {  	v39 =	vor.u32 $0x11, v1;
	v4 =	vld.idx.msk [tilespmem:v34+s12+$0x0], $0xffff  }
0x84: {  	v40 =	vld.idx.msk [tilespmem:v6+s11+$0x0], $0xffff;
	v2 =	vadd.f32 v3, v2;
	v3 =	vmul.f32 v5, v35  }
0x85: {  	v5 =	vld.idx.msk [tilespmem:v6+s12+$0x0], $0xffff;
	v6 =	vor.u32 $0x12, v1  }
0x86: {  	v41 =	vld.idx.msk [tilespmem:v37+s11+$0x0], $0xffff;
	v2 =	vadd.f32 v3, v2;
	v3 =	vmul.f32 v7, v36  }
0x87: {  	v42 =	vor.u32 $0x13, v1;
	v7 =	vld.idx.msk [tilespmem:v37+s12+$0x0], $0xffff  }
0x88: {  	v43 =	vld.idx.msk [tilespmem:v39+s11+$0x0], $0xffff;
	v2 =	vadd.f32 v3, v2;
	v3 =	vmul.f32 v4, v38  }
0x89: {  	v44 =	vor.u32 $0x14, v1;
	v4 =	vld.idx.msk [tilespmem:v39+s12+$0x0], $0xffff  }
0x8a: {  	v45 =	vld.idx.msk [tilespmem:v6+s11+$0x0], $0xffff;
	v2 =	vadd.f32 v3, v2;
	v3 =	vmul.f32 v5, v40  }
0x8b: {  	v5 =	vld.idx.msk [tilespmem:v6+s12+$0x0], $0xffff;
	v6 =	vor.u32 $0x15, v1  }
0x8c: {  	v46 =	vld.idx.msk [tilespmem:v42+s11+$0x0], $0xffff;
	v2 =	vadd.f32 v3, v2;
	v3 =	vmul.f32 v7, v41  }
0x8d: {  	v47 =	vor.u32 $0x16, v1;
	v7 =	vld.idx.msk [tilespmem:v42+s12+$0x0], $0xffff  }
0x8e: {  	v48 =	vld.idx.msk [tilespmem:v44+s11+$0x0], $0xffff;
	v2 =	vadd.f32 v3, v2;
	v3 =	vmul.f32 v4, v43  }
0x8f: {  	v49 =	vor.u32 $0x17, v1;
	v4 =	vld.idx.msk [tilespmem:v44+s12+$0x0], $0xffff  }
0x90: {  	v50 =	vld.idx.msk [tilespmem:v6+s11+$0x0], $0xffff;
	v2 =	vadd.f32 v3, v2;
	v3 =	vmul.f32 v5, v45  }
0x91: {  	v5 =	vld.idx.msk [tilespmem:v6+s12+$0x0], $0xffff;
	v6 =	vor.u32 $0x18, v1  }
0x92: {  	v51 =	vld.idx.msk [tilespmem:v47+s11+$0x0], $0xffff;
	v2 =	vadd.f32 v3, v2;
	v3 =	vmul.f32 v7, v46  }
0x93: {  	v52 =	vor.u32 $0x19, v1;
	v7 =	vld.idx.msk [tilespmem:v47+s12+$0x0], $0xffff  }
0x94: {  	v53 =	vld.idx.msk [tilespmem:v49+s11+$0x0], $0xffff;
	v2 =	vadd.f32 v3, v2;
	v3 =	vmul.f32 v4, v48  }
0x95: {  	v54 =	vor.u32 $0x1A, v1;
	v4 =	vld.idx.msk [tilespmem:v49+s12+$0x0], $0xffff  }
0x96: {  	v55 =	vld.idx.msk [tilespmem:v6+s11+$0x0], $0xffff;
	v2 =	vadd.f32 v3, v2;
	v3 =	vmul.f32 v5, v50  }
0x97: {  	v5 =	vld.idx.msk [tilespmem:v6+s12+$0x0], $0xffff;
	v6 =	vor.u32 $0x1B, v1  }
0x98: {  	v56 =	vld.idx.msk [tilespmem:v52+s11+$0x0], $0xffff;
	v2 =	vadd.f32 v3, v2;
	v3 =	vmul.f32 v7, v51  }
0x99: {  	v57 =	vor.u32 $0x1C, v1;
	v7 =	vld.idx.msk [tilespmem:v52+s12+$0x0], $0xffff  }
0x9a: {  	v58 =	vld.idx.msk [tilespmem:v54+s11+$0x0], $0xffff;
	v2 =	vadd.f32 v3, v2;
	v3 =	vmul.f32 v4, v53  }
0x9b: {  	v4 =	vld.idx.msk [tilespmem:v54+s12+$0x0], $0xffff  }
0x9c: {  	v60 =	vld.idx.msk [tilespmem:v6+s11+$0x0], $0xffff;
	v2 =	vadd.f32 v3, v2;
	v3 =	vmul.f32 v5, v55  }
0x9d: {  	v59 =	vor.u32 $0x1D, v1;
	v5 =	vld.idx.msk [tilespmem:v6+s12+$0x0], $0xffff  }
0x9e: {  	v61 =	vld.idx.msk [tilespmem:v57+s11+$0x0], $0xffff;
	v2 =	vadd.f32 v3, v2;
	v3 =	vmul.f32 v7, v56  }
0x9f: {  	v6 =	vor.u32 $0x1E, v1;
	v7 =	vld.idx.msk [tilespmem:v57+s12+$0x0], $0xffff  }
0xa0: {  	v2 =	vadd.f32 v3, v2;
	v3 =	vmul.f32 v4, v58  }
0xa1: {  	v1 =	vor.u32 $0x1F, v1  }
0xa2: {  	v62 =	vld.idx.msk [tilespmem:v59+s11+$0x0], $0xffff;
	v2 =	vadd.f32 v3, v2;
	v3 =	vmul.f32 v5, v60  }
0xa3: {  	v4 =	vld.idx.msk [tilespmem:v59+s12+$0x0], $0xffff  }
0xa4: {  	v63 =	vld.idx.msk [tilespmem:v6+s11+$0x0], $0xffff;
	v2 =	vadd.f32 v3, v2;
	v3 =	vmul.f32 v7, v61  }
0xa5: {  	v5 =	vld.idx.msk [tilespmem:v6+s12+$0x0], $0xffff  }
0xa6: {  	v6 =	vadd.f32 v3, v2;
	v2 =	vld.idx.msk [tilespmem:v1+s11+$0x0], $0xffff  }
0xa7: {  	v3 =	vld.idx.msk [tilespmem:v1+s12+$0x0], $0xffff  }
0xa8: {  	v4 =	vmul.f32 v4, v62  }
0xa9: {  	s31 =	simm.s32 $0x20  }
0xaa: {  	v7 =	vmov s31;
	v5 =	vmul.f32 v5, v63;
	v4 =	vadd.f32 v4, v6  }
0xab: {  	s18 =	simm.s32 $0x30;
	s17 =	simm.s32 $0x8400;
	v1 =	vshll.u32 v7, $0x5  }
.LBB2_2:
0xac: {  	p0 =	sne.s32 s18, $0x1F0;
	v1 =	vor.u32 v0, v1;
	v4 =	vadd.f32 v5, v4;
	v2 =	vmul.f32 v3, v2;
	_ =	sdelay $0x1  }
0xad: {  	v3 =	vor.u32 $0x1, v1;
	v2 =	vadd.f32 v2, v4  }
0xae: {  	s17 =	sadd.s32 $0x10, s17  }
0xaf: {  	v4 =	vor.u32 $0x2, v1;
	[tilespmem:s17+$0x0] =	vst v2  }
0xb0: {  	v2 =	vld.idx.msk [tilespmem:v1+s12+$0x0], $0xffff  }
0xb1: {  	v6 =	vor.u32 $0x3, v1;
	v5 =	vld.idx.msk [tilespmem:v1+s11+$0x0], $0xffff  }
0xb2: {  	v7 =	vld.idx.msk [tilespmem:v3+s11+$0x0], $0xffff  }
0xb3: {  	v8 =	vor.u32 $0x4, v1;
	v3 =	vld.idx.msk [tilespmem:v3+s12+$0x0], $0xffff  }
0xb4: {  	v9 =	vld.idx.msk [tilespmem:v4+s11+$0x0], $0xffff  }
0xb5: {  	v10 =	vor.u32 $0x5, v1;
	v4 =	vld.idx.msk [tilespmem:v4+s12+$0x0], $0xffff  }
0xb6: {  	v11 =	vld.idx.msk [tilespmem:v6+s11+$0x0], $0xffff  }
0xb7: {  	v2 =	vmul.f32 v2, v5;
	v5 =	vld.idx.msk [tilespmem:v6+s12+$0x0], $0xffff;
	v6 =	vor.u32 $0x6, v1  }
0xb8: {  	v12 =	vld.idx.msk [tilespmem:v8+s11+$0x0], $0xffff  }
0xb9: {  	v2 =	vadd.f32 $0.0e+00, v2;
	v3 =	vmul.f32 v3, v7;
	v7 =	vld.idx.msk [tilespmem:v8+s12+$0x0], $0xffff;
	v8 =	vor.u32 $0x7, v1  }
0xba: {  	v13 =	vld.idx.msk [tilespmem:v10+s11+$0x0], $0xffff  }
0xbb: {  	v2 =	vadd.f32 v3, v2;
	v3 =	vmul.f32 v4, v9;
	v9 =	vor.u32 $0x8, v1;
	v4 =	vld.idx.msk [tilespmem:v10+s12+$0x0], $0xffff  }
0xbc: {  	v10 =	vld.idx.msk [tilespmem:v6+s11+$0x0], $0xffff  }
0xbd: {  	v2 =	vadd.f32 v3, v2;
	v3 =	vmul.f32 v5, v11;
	v5 =	vld.idx.msk [tilespmem:v6+s12+$0x0], $0xffff;
	v6 =	vor.u32 $0x9, v1  }
0xbe: {  	v11 =	vld.idx.msk [tilespmem:v8+s11+$0x0], $0xffff  }
0xbf: {  	v2 =	vadd.f32 v3, v2;
	v3 =	vmul.f32 v7, v12;
	v7 =	vld.idx.msk [tilespmem:v8+s12+$0x0], $0xffff;
	v8 =	vor.u32 $0xA, v1  }
0xc0: {  	v12 =	vld.idx.msk [tilespmem:v9+s11+$0x0], $0xffff  }
0xc1: {  	v2 =	vadd.f32 v3, v2;
	v3 =	vmul.f32 v4, v13;
	v4 =	vld.idx.msk [tilespmem:v9+s12+$0x0], $0xffff;
	v9 =	vor.u32 $0xB, v1  }
0xc2: {  	v13 =	vld.idx.msk [tilespmem:v6+s11+$0x0], $0xffff  }
0xc3: {  	v2 =	vadd.f32 v3, v2;
	v3 =	vmul.f32 v5, v10;
	v5 =	vld.idx.msk [tilespmem:v6+s12+$0x0], $0xffff;
	v6 =	vor.u32 $0xC, v1  }
0xc4: {  	v10 =	vld.idx.msk [tilespmem:v8+s11+$0x0], $0xffff  }
0xc5: {  	v2 =	vadd.f32 v3, v2;
	v3 =	vmul.f32 v7, v11;
	v7 =	vld.idx.msk [tilespmem:v8+s12+$0x0], $0xffff;
	v8 =	vor.u32 $0xD, v1  }
0xc6: {  	v11 =	vld.idx.msk [tilespmem:v9+s11+$0x0], $0xffff  }
0xc7: {  	v2 =	vadd.f32 v3, v2;
	v3 =	vmul.f32 v4, v12;
	v4 =	vld.idx.msk [tilespmem:v9+s12+$0x0], $0xffff;
	v9 =	vor.u32 $0xE, v1  }
0xc8: {  	v12 =	vld.idx.msk [tilespmem:v6+s11+$0x0], $0xffff  }
0xc9: {  	v2 =	vadd.f32 v3, v2;
	v3 =	vmul.f32 v5, v13;
	v5 =	vld.idx.msk [tilespmem:v6+s12+$0x0], $0xffff;
	v6 =	vor.u32 $0xF, v1  }
0xca: {  	v13 =	vld.idx.msk [tilespmem:v8+s11+$0x0], $0xffff  }
0xcb: {  	v2 =	vadd.f32 v3, v2;
	v3 =	vmul.f32 v7, v10;
	v7 =	vld.idx.msk [tilespmem:v8+s12+$0x0], $0xffff;
	v8 =	vor.u32 $0x10, v1  }
0xcc: {  	v10 =	vld.idx.msk [tilespmem:v9+s11+$0x0], $0xffff  }
0xcd: {  	v2 =	vadd.f32 v3, v2;
	v3 =	vmul.f32 v4, v11;
	v4 =	vld.idx.msk [tilespmem:v9+s12+$0x0], $0xffff;
	v9 =	vor.u32 $0x11, v1  }
0xce: {  	v11 =	vld.idx.msk [tilespmem:v6+s11+$0x0], $0xffff  }
0xcf: {  	v2 =	vadd.f32 v3, v2;
	v3 =	vmul.f32 v5, v12;
	v5 =	vld.idx.msk [tilespmem:v6+s12+$0x0], $0xffff;
	v6 =	vor.u32 $0x12, v1  }
0xd0: {  	v12 =	vld.idx.msk [tilespmem:v8+s11+$0x0], $0xffff  }
0xd1: {  	v2 =	vadd.f32 v3, v2;
	v3 =	vmul.f32 v7, v13;
	v7 =	vld.idx.msk [tilespmem:v8+s12+$0x0], $0xffff;
	v8 =	vor.u32 $0x13, v1  }
0xd2: {  	v13 =	vld.idx.msk [tilespmem:v9+s11+$0x0], $0xffff  }
0xd3: {  	v2 =	vadd.f32 v3, v2;
	v3 =	vmul.f32 v4, v10;
	v4 =	vld.idx.msk [tilespmem:v9+s12+$0x0], $0xffff;
	v9 =	vor.u32 $0x14, v1  }
0xd4: {  	v10 =	vld.idx.msk [tilespmem:v6+s11+$0x0], $0xffff  }
0xd5: {  	v2 =	vadd.f32 v3, v2;
	v3 =	vmul.f32 v5, v11;
	v5 =	vld.idx.msk [tilespmem:v6+s12+$0x0], $0xffff;
	v6 =	vor.u32 $0x15, v1  }
0xd6: {  	v11 =	vld.idx.msk [tilespmem:v8+s11+$0x0], $0xffff  }
0xd7: {  	v2 =	vadd.f32 v3, v2;
	v3 =	vmul.f32 v7, v12;
	v7 =	vld.idx.msk [tilespmem:v8+s12+$0x0], $0xffff;
	v8 =	vor.u32 $0x16, v1  }
0xd8: {  	v12 =	vld.idx.msk [tilespmem:v9+s11+$0x0], $0xffff  }
0xd9: {  	v2 =	vadd.f32 v3, v2;
	v3 =	vmul.f32 v4, v13;
	v4 =	vld.idx.msk [tilespmem:v9+s12+$0x0], $0xffff;
	v9 =	vor.u32 $0x17, v1  }
0xda: {  	v13 =	vld.idx.msk [tilespmem:v6+s11+$0x0], $0xffff  }
0xdb: {  	v2 =	vadd.f32 v3, v2;
	v3 =	vmul.f32 v5, v10;
	v5 =	vld.idx.msk [tilespmem:v6+s12+$0x0], $0xffff;
	v6 =	vor.u32 $0x18, v1  }
0xdc: {  	v10 =	vld.idx.msk [tilespmem:v8+s11+$0x0], $0xffff  }
0xdd: {  	v2 =	vadd.f32 v3, v2;
	v3 =	vmul.f32 v7, v11;
	v7 =	vld.idx.msk [tilespmem:v8+s12+$0x0], $0xffff;
	v8 =	vor.u32 $0x19, v1  }
0xde: {  	v11 =	vld.idx.msk [tilespmem:v9+s11+$0x0], $0xffff  }
0xdf: {  	v2 =	vadd.f32 v3, v2;
	v3 =	vmul.f32 v4, v12;
	v4 =	vld.idx.msk [tilespmem:v9+s12+$0x0], $0xffff;
	v9 =	vor.u32 $0x1A, v1  }
0xe0: {  	v12 =	vld.idx.msk [tilespmem:v6+s11+$0x0], $0xffff  }
0xe1: {  	v2 =	vadd.f32 v3, v2;
	v3 =	vmul.f32 v5, v13;
	v5 =	vld.idx.msk [tilespmem:v6+s12+$0x0], $0xffff;
	v6 =	vor.u32 $0x1B, v1  }
0xe2: {  	v13 =	vld.idx.msk [tilespmem:v8+s11+$0x0], $0xffff  }
0xe3: {  	v2 =	vadd.f32 v3, v2;
	v3 =	vmul.f32 v7, v10;
	v7 =	vld.idx.msk [tilespmem:v8+s12+$0x0], $0xffff;
	v8 =	vor.u32 $0x1C, v1  }
0xe4: {  	v10 =	vld.idx.msk [tilespmem:v9+s11+$0x0], $0xffff  }
0xe5: {  	v2 =	vadd.f32 v3, v2;
	v3 =	vmul.f32 v4, v11;
	v4 =	vld.idx.msk [tilespmem:v9+s12+$0x0], $0xffff;
	v9 =	vor.u32 $0x1D, v1  }
0xe6: {  	v11 =	vld.idx.msk [tilespmem:v6+s11+$0x0], $0xffff  }
0xe7: {  	v2 =	vadd.f32 v3, v2;
	v3 =	vmul.f32 v5, v12;
	v5 =	vld.idx.msk [tilespmem:v6+s12+$0x0], $0xffff;
	v6 =	vor.u32 $0x1E, v1  }
0xe8: {  	v12 =	vld.idx.msk [tilespmem:v8+s11+$0x0], $0xffff  }
0xe9: {  	v1 =	vor.u32 $0x1F, v1;
	v2 =	vadd.f32 v3, v2;
	v3 =	vmul.f32 v7, v13;
	v7 =	vld.idx.msk [tilespmem:v8+s12+$0x0], $0xffff  }
0xea: {  	v8 =	vld.idx.msk [tilespmem:v9+s11+$0x0], $0xffff  }
0xeb: {  	v2 =	vadd.f32 v3, v2;
	v3 =	vmul.f32 v4, v10;
	v4 =	vld.idx.msk [tilespmem:v9+s12+$0x0], $0xffff  }
0xec: {  	v9 =	vld.idx.msk [tilespmem:v6+s11+$0x0], $0xffff  }
0xed: {  	v3 =	vadd.f32 v3, v2;
	v5 =	vmul.f32 v5, v11;
	v6 =	vld.idx.msk [tilespmem:v6+s12+$0x0], $0xffff  }
0xee: {  	v2 =	vld.idx.msk [tilespmem:v1+s11+$0x0], $0xffff  }
0xef: {  	v5 =	vadd.f32 v5, v3;
	v7 =	vmul.f32 v7, v12;
	v3 =	vld.idx.msk [tilespmem:v1+s12+$0x0], $0xffff  }
.Ltmp0:
0xf0: {  	(pc) =	sbr.rel @p0 .LBB2_2-.Ltmp0, $3  }
0xf1: {  	v1 =	vadd.f32 v7, v5;
	v4 =	vmul.f32 v4, v8;
	_ =	sdelay $0x1  }
0xf2: {  	v7 =	vmov s18;
	v4 =	vadd.f32 v4, v1;
	v5 =	vmul.f32 v6, v9  }
0xf3: {  	s18 =	sadd.s32 $0x10, s18;
	v1 =	vshll.u32 v7, $0x5  }
0xf4: {  	v1 =	vor.u32 v0, v1;
	v4 =	vadd.f32 v5, v4;
	v2 =	vmul.f32 v3, v2;
	_ =	sdelay $0x1  }
0xf5: {  	v3 =	vor.u32 $0x1, v1;
	v2 =	vadd.f32 v2, v4  }
0xf6: {  	s17 =	sadd.s32 $0x10, s17  }
0xf7: {  	v31 =	vor.u32 $0x2, v1;
	[tilespmem:s17+$0x0] =	vst v2  }
0xf8: {  	v2 =	vld.idx.msk [tilespmem:v1+s12+$0x0], $0xffff  }
0xf9: {  	v6 =	vor.u32 $0x3, v1;
	v32 =	vld.idx.msk [tilespmem:v1+s11+$0x0], $0xffff  }
0xfa: {  	v7 =	vld.idx.msk [tilespmem:v3+s11+$0x0], $0xffff  }
0xfb: {  	v8 =	vor.u32 $0x4, v1;
	v3 =	vld.idx.msk [tilespmem:v3+s12+$0x0], $0xffff  }
0xfc: {  	v9 =	vld.idx.msk [tilespmem:v31+s11+$0x0], $0xffff  }
0xfd: {  	v10 =	vor.u32 $0x5, v1;
	v4 =	vld.idx.msk [tilespmem:v31+s12+$0x0], $0xffff  }
0xfe: {  	v11 =	vld.idx.msk [tilespmem:v6+s11+$0x0], $0xffff;
	v2 =	vmul.f32 v2, v32  }
0xff: {  	v34 =	vor.u32 $0x6, v1;
	v33 =	vld.idx.msk [tilespmem:v6+s12+$0x0], $0xffff  }
0x100: {  	v12 =	vld.idx.msk [tilespmem:v8+s11+$0x0], $0xffff;
	v3 =	vmul.f32 v3, v7;
	v2 =	vadd.f32 $0.0e+00, v2  }
0x101: {  	v36 =	vor.u32 $0x7, v1;
	v35 =	vld.idx.msk [tilespmem:v8+s12+$0x0], $0xffff  }
0x102: {  	v13 =	vld.idx.msk [tilespmem:v10+s11+$0x0], $0xffff;
	v2 =	vadd.f32 v3, v2;
	v3 =	vmul.f32 v4, v9  }
0x103: {  	v38 =	vor.u32 $0x8, v1;
	v37 =	vld.idx.msk [tilespmem:v10+s12+$0x0], $0xffff  }
0x104: {  	v39 =	vld.idx.msk [tilespmem:v34+s11+$0x0], $0xffff;
	v2 =	vadd.f32 v3, v2;
	v3 =	vmul.f32 v33, v11  }
0x105: {  	v41 =	vor.u32 $0x9, v1;
	v40 =	vld.idx.msk [tilespmem:v34+s12+$0x0], $0xffff  }
0x106: {  	v42 =	vld.idx.msk [tilespmem:v36+s11+$0x0], $0xffff;
	v2 =	vadd.f32 v3, v2;
	v3 =	vmul.f32 v35, v12  }
0x107: {  	v44 =	vor.u32 $0xA, v1;
	v43 =	vld.idx.msk [tilespmem:v36+s12+$0x0], $0xffff  }
0x108: {  	v45 =	vld.idx.msk [tilespmem:v38+s11+$0x0], $0xffff;
	v2 =	vadd.f32 v3, v2;
	v3 =	vmul.f32 v37, v13  }
0x109: {  	v47 =	vor.u32 $0xB, v1;
	v46 =	vld.idx.msk [tilespmem:v38+s12+$0x0], $0xffff  }
0x10a: {  	v48 =	vld.idx.msk [tilespmem:v41+s11+$0x0], $0xffff;
	v2 =	vadd.f32 v3, v2;
	v3 =	vmul.f32 v40, v39  }
0x10b: {  	v50 =	vor.u32 $0xC, v1;
	v49 =	vld.idx.msk [tilespmem:v41+s12+$0x0], $0xffff  }
0x10c: {  	v51 =	vld.idx.msk [tilespmem:v44+s11+$0x0], $0xffff;
	v2 =	vadd.f32 v3, v2;
	v3 =	vmul.f32 v43, v42  }
0x10d: {  	v53 =	vor.u32 $0xD, v1;
	v52 =	vld.idx.msk [tilespmem:v44+s12+$0x0], $0xffff  }
0x10e: {  	v54 =	vld.idx.msk [tilespmem:v47+s11+$0x0], $0xffff;
	v2 =	vadd.f32 v3, v2;
	v3 =	vmul.f32 v46, v45  }
0x10f: {  	v56 =	vor.u32 $0xE, v1;
	v55 =	vld.idx.msk [tilespmem:v47+s12+$0x0], $0xffff  }
0x110: {  	v57 =	vld.idx.msk [tilespmem:v50+s11+$0x0], $0xffff;
	v2 =	vadd.f32 v3, v2;
	v3 =	vmul.f32 v49, v48  }
0x111: {  	v59 =	vor.u32 $0xF, v1;
	v58 =	vld.idx.msk [tilespmem:v50+s12+$0x0], $0xffff  }
0x112: {  	v60 =	vld.idx.msk [tilespmem:v53+s11+$0x0], $0xffff;
	v2 =	vadd.f32 v3, v2;
	v3 =	vmul.f32 v52, v51  }
0x113: {  	v62 =	vor.u32 $0x10, v1;
	v61 =	vld.idx.msk [tilespmem:v53+s12+$0x0], $0xffff  }
0x114: {  	v63 =	vld.idx.msk [tilespmem:v56+s11+$0x0], $0xffff;
	v2 =	vadd.f32 v3, v2;
	v3 =	vmul.f32 v55, v54  }
0x115: {  	v17 =	vor.u32 $0x11, v1;
	v16 =	vld.idx.msk [tilespmem:v56+s12+$0x0], $0xffff  }
0x116: {  	v18 =	vld.idx.msk [tilespmem:v59+s11+$0x0], $0xffff;
	v2 =	vadd.f32 v3, v2;
	v3 =	vmul.f32 v58, v57  }
0x117: {  	v20 =	vor.u32 $0x12, v1;
	v19 =	vld.idx.msk [tilespmem:v59+s12+$0x0], $0xffff  }
0x118: {  	v21 =	vld.idx.msk [tilespmem:v62+s11+$0x0], $0xffff;
	v2 =	vadd.f32 v3, v2;
	v3 =	vmul.f32 v61, v60  }
0x119: {  	v23 =	vor.u32 $0x13, v1;
	v22 =	vld.idx.msk [tilespmem:v62+s12+$0x0], $0xffff  }
0x11a: {  	v24 =	vld.idx.msk [tilespmem:v17+s11+$0x0], $0xffff;
	v2 =	vadd.f32 v3, v2;
	v3 =	vmul.f32 v16, v63  }
0x11b: {  	v26 =	vor.u32 $0x14, v1;
	v25 =	vld.idx.msk [tilespmem:v17+s12+$0x0], $0xffff  }
0x11c: {  	v27 =	vld.idx.msk [tilespmem:v20+s11+$0x0], $0xffff;
	v2 =	vadd.f32 v3, v2;
	v3 =	vmul.f32 v19, v18  }
0x11d: {  	v29 =	vor.u32 $0x15, v1;
	v28 =	vld.idx.msk [tilespmem:v20+s12+$0x0], $0xffff  }
0x11e: {  	v30 =	vld.idx.msk [tilespmem:v23+s11+$0x0], $0xffff;
	v2 =	vadd.f32 v3, v2;
	v3 =	vmul.f32 v22, v21  }
0x11f: {  	v31 =	vld.idx.msk [tilespmem:v23+s12+$0x0], $0xffff;
	v32 =	vor.u32 $0x16, v1  }
0x120: {  	v34 =	vld.idx.msk [tilespmem:v26+s12+$0x0], $0xffff;
	v2 =	vadd.f32 v3, v2;
	v3 =	vmul.f32 v25, v24  }
0x121: {  	v33 =	vld.idx.msk [tilespmem:v26+s11+$0x0], $0xffff;
	v35 =	vor.u32 $0x17, v1  }
0x122: {  	v36 =	vld.idx.msk [tilespmem:v29+s11+$0x0], $0xffff;
	v2 =	vadd.f32 v3, v2;
	v3 =	vmul.f32 v28, v27  }
0x123: {  	v38 =	vor.u32 $0x18, v1;
	v37 =	vld.idx.msk [tilespmem:v29+s12+$0x0], $0xffff  }
0x124: {  	v39 =	vld.idx.msk [tilespmem:v32+s11+$0x0], $0xffff;
	v2 =	vadd.f32 v3, v2;
	v3 =	vmul.f32 v31, v30  }
0x125: {  	v41 =	vor.u32 $0x19, v1;
	v40 =	vld.idx.msk [tilespmem:v32+s12+$0x0], $0xffff  }
0x126: {  	v42 =	vld.idx.msk [tilespmem:v35+s11+$0x0], $0xffff;
	v2 =	vadd.f32 v3, v2;
	v3 =	vmul.f32 v34, v33  }
0x127: {  	v44 =	vor.u32 $0x1A, v1;
	v43 =	vld.idx.msk [tilespmem:v35+s12+$0x0], $0xffff  }
0x128: {  	v45 =	vld.idx.msk [tilespmem:v38+s11+$0x0], $0xffff;
	v2 =	vadd.f32 v3, v2;
	v3 =	vmul.f32 v37, v36  }
0x129: {  	v47 =	vor.u32 $0x1B, v1;
	v46 =	vld.idx.msk [tilespmem:v38+s12+$0x0], $0xffff  }
0x12a: {  	v48 =	vld.idx.msk [tilespmem:v41+s11+$0x0], $0xffff;
	v2 =	vadd.f32 v3, v2;
	v3 =	vmul.f32 v40, v39  }
0x12b: {  	v50 =	vor.u32 $0x1C, v1;
	v49 =	vld.idx.msk [tilespmem:v41+s12+$0x0], $0xffff  }
0x12c: {  	v51 =	vld.idx.msk [tilespmem:v44+s11+$0x0], $0xffff;
	v2 =	vadd.f32 v3, v2;
	v3 =	vmul.f32 v43, v42  }
0x12d: {  	v53 =	vor.u32 $0x1D, v1;
	v52 =	vld.idx.msk [tilespmem:v44+s12+$0x0], $0xffff  }
0x12e: {  	v54 =	vld.idx.msk [tilespmem:v47+s11+$0x0], $0xffff;
	v2 =	vadd.f32 v3, v2;
	v3 =	vmul.f32 v46, v45  }
0x12f: {  	v56 =	vor.u32 $0x1E, v1;
	v55 =	vld.idx.msk [tilespmem:v47+s12+$0x0], $0xffff  }
0x130: {  	v57 =	vld.idx.msk [tilespmem:v50+s11+$0x0], $0xffff;
	v2 =	vadd.f32 v3, v2;
	v3 =	vmul.f32 v49, v48  }
0x131: {  	v1 =	vor.u32 $0x1F, v1;
	v58 =	vld.idx.msk [tilespmem:v50+s12+$0x0], $0xffff  }
0x132: {  	v59 =	vld.idx.msk [tilespmem:v53+s11+$0x0], $0xffff;
	v2 =	vadd.f32 v3, v2;
	v3 =	vmul.f32 v52, v51  }
0x133: {  	v60 =	vld.idx.msk [tilespmem:v53+s12+$0x0], $0xffff  }
0x134: {  	v62 =	vld.idx.msk [tilespmem:v56+s12+$0x0], $0xffff;
	v2 =	vadd.f32 v3, v2;
	v3 =	vmul.f32 v55, v54  }
0x135: {  	v61 =	vld.idx.msk [tilespmem:v56+s11+$0x0], $0xffff  }
0x136: {  	v63 =	vld.idx.msk [tilespmem:v1+s11+$0x0], $0xffff;
	v2 =	vadd.f32 v3, v2;
	v3 =	vmul.f32 v58, v57  }
0x137: {  	v1 =	vld.idx.msk [tilespmem:v1+s12+$0x0], $0xffff  }
0x138: {  	v2 =	vadd.f32 v3, v2;
	v3 =	vmul.f32 v60, v59;
	_ =	sdelay $0x1  }
0x139: {  	v2 =	vadd.f32 v3, v2;
	v3 =	vmul.f32 v62, v61;
	_ =	sdelay $0x1  }
0x13a: {  	v1 =	vmul.f32 v1, v63;
	v2 =	vadd.f32 v3, v2;
	_ =	sdelay $0x1  }
0x13b: {  	s16 =	sadd.s32 $0x1, s16;
	v1 =	vadd.f32 v1, v2  }
0x13c: {  	p0 =	sne.s32 s16, s8;
	s17 =	sadd.s32 $0x10, s17  }
.Ltmp1:
0x13d: {  	[tilespmem:s17+$0x0] =	vst v1;
	(pc) =	sbr.rel @p0 .LBB2_1-.Ltmp1, $4  }
0x13e: {  	[hbm4b:s7+s1] =	stream.linear.scatter [tilespmem:s15], [sflag:$0x3], $0x200, $0x38;
	[tilespmem:$0x8600] =	vst v63  }
0x13f: {  	_ =	swait.ge [sflag:s9], $0x200  }
0x140: {  	[sflag:s9] =	ssyncset.done $0x0  }
0x141: {  	[sflag:s9] =	ssyncadd.s32 $0xFFFFFE00  }
0x142: {  	_ =	sfence.sel $0x180000  }
0x143: {  	[bflag:$0x0] =	sbarrier.arrive $0xFFFF  }
0x144: {  	p0 =	sne.s32 s2, $0x0;
	_ =	strace $0x90000047  }
0x145: {  	s0 =	sadd.s32 @!p0 $0x100000, s0;
	[bflag:$0x2] =	sbarrier.arrive $0xFFFF  }
0x146: {  	[sflag:s0] =	ssyncadd.tile.s32 @!p0 $0x1;
	_ =	shalt  }
.Lfunc_end2:
_tile_overlayer_lowered:
.L_overlay_start_2:
0x147: {  	(tag) =	ssettag $0x2  }
0x148: {  	s0 =	rddreg [dreg:$0x0];
	s2 =	stileid.u32  }
0x149: {  	s1 =	rddreg [dreg:$0x1];
	p0 =	sne.s32 s2, $0x0  }
0x14a: {  	s3 =	rddreg [dreg:$0x2];
	[bflag:$0x3] =	sbarrier.arrive $0xFFFF;
	s2 =	simm.s32 @!p0 $0x1C03  }
0x14b: {  	[timem:s3], [sflag:s2] =	dma.local @!p0 [hbm:s0], s1  }
0x14c: {  	s0 =	simm.s32 @!p0 $0x3  }
0x14d: {  	_ =	swait.ge @!p0 [sflag:s0], s1  }
0x14e: {  	s1 =	ssub.s32 @!p0 $0x0, s1;
	[sflag:s0] =	ssyncset.done @!p0 $0x0  }
0x14f: {  	[sflag:s0] =	ssyncadd.s32 @!p0 s1  }
0x150: {  	[bflag:$0x3] =	sbarrier.arrive $0xFFFF  }
0x151: {  	_ =	shalt  }

</sc_bundles>
